<compile_context>
chip_gen: v7x
topology: tpu7x:2x2x1
jax: 0.10.2.dev20260603
libtpu: 0.0.44.dev20260713+nightly
codegen_flags: <defaults>
</compile_context>

<pallas_src>
import functools

import jax
import jax.numpy as jnp
from jax import lax
from jax.experimental import pallas as pl
from jax.experimental.pallas import tpu as pltpu
from jax.experimental.pallas import tpu_sc as plsc

NC, NS, L = 2, 16, 16
NW = NC * NS
B, T, H = 4096, 200, 64
HP = 128
VOCAB = 1000000
SEQ_PER_W = B // NW
CH = 1
NIT = SEQ_PER_W // CH
ROWS = CH * T
NBUF = 3
ROWS_W = SEQ_PER_W * T


def _body(ids_hbm, tok_hbm, pos_hbm, out_hbm, idx_v, rows_v, pos_v, *sems):
    gsems, wsems = sems[:NBUF], sems[NBUF:]
    wid = lax.axis_index("s") * NC + lax.axis_index("c")
    row_base = wid * ROWS_W
    pltpu.sync_copy(ids_hbm.at[pl.ds(row_base, ROWS_W)], idx_v)
    pltpu.sync_copy(pos_hbm, pos_v)

    def start_gather(c, b):
        pltpu.async_copy(
            tok_hbm.at[idx_v.at[pl.ds(c * ROWS, ROWS)]], rows_v.at[b], gsems[b]
        )

    def wait_gather(c, b):
        pltpu.make_async_copy(
            tok_hbm.at[idx_v.at[pl.ds(c * ROWS, ROWS)]], rows_v.at[b], gsems[b]
        ).wait()

    for b in range(2):
        start_gather(b, b)

    @pl.loop(0, NIT + 1, step=NBUF)
    def _grp(g):
        for b in range(NBUF):
            c = g + b

            @pl.when(c < NIT)
            def _chunk():
                wait_gather(c, b)

                @pl.loop(0, T, unroll=2)
                def _row(t):
                    for cc in range(H // L):
                        sl = pl.ds(cc * L, L)
                        rows_v[b, t, sl] = rows_v[b, t, sl] + pos_v[t, sl]

                nb = (b + 2) % NBUF
                nxt = c + 2

                @pl.when(nxt < NIT)
                def _prefetch():
                    @pl.when(c >= 1)
                    def _drain():
                        pltpu.make_async_copy(
                            rows_v.at[nb], out_hbm.at[pl.ds(0, ROWS)], wsems[nb]
                        ).wait()

                    start_gather(nxt, nb)

                row0 = row_base + c * ROWS
                pltpu.async_copy(
                    rows_v.at[b], out_hbm.at[pl.ds(row0, ROWS)], wsems[b]
                )

    for b in range(NBUF):
        pltpu.make_async_copy(
            rows_v.at[b], out_hbm.at[pl.ds(0, ROWS)], wsems[b]
        ).wait()


@jax.jit
def _run(ids_flat, tok_padded, pos_emb):
    mesh = plsc.VectorSubcoreMesh(
        core_axis_name="c", subcore_axis_name="s", num_cores=NC, num_subcores=NS
    )
    k = pl.kernel(
        _body,
        out_type=jax.ShapeDtypeStruct((B * T, HP), jnp.float32),
        mesh=mesh,
        compiler_params=pltpu.CompilerParams(use_tc_tiling_on_sc=False),
        scratch_types=[
            pltpu.VMEM((ROWS_W,), jnp.int32),
            pltpu.VMEM((NBUF, ROWS, HP), jnp.float32),
            pltpu.VMEM((T, H), jnp.float32),
        ]
        + [pltpu.SemaphoreType.DMA] * (2 * NBUF),
    )
    return k(ids_flat, tok_padded, pos_emb)


def kernel(input_ids, token_emb, pos_emb):
    ids_flat = input_ids.reshape(B * T).astype(jnp.int32)
    tok_padded = jnp.pad(token_emb, ((0, 0), (0, HP - H)))
    out = _run(ids_flat, tok_padded, pos_emb)
    return out.reshape(B, T, HP)[:, :, :H]

# --- scband reference (transcript-rebuilt; emitter-appended) ---
"""Pipeline reference for scband-embedding-66486093742732 (READ-ONLY COPY).

The authoritative reference and input builder live on the scoring server;
editing this copy changes nothing except your own understanding.
"""

import jax, jax.numpy as jnp
import numpy as np

VOCAB = 1000000
HIDDEN = 64
SEQ = 200
BATCH = 4096

def setup_inputs(seed: int = 0) -> dict:
    key = jax.random.key(seed)
    k_ids, k_tok, k_pos = jax.random.split(key, 3)
    input_ids = jax.random.randint(k_ids, (BATCH, SEQ), 0, VOCAB, dtype=jnp.int64 if jax.config.jax_enable_x64 else jnp.int32)
    token_emb = jax.random.normal(k_tok, (VOCAB, HIDDEN), dtype=jnp.float32) * 0.02
    pos_emb = jax.random.normal(k_pos, (SEQ, HIDDEN), dtype=jnp.float32) * 0.02
    return {"input_ids": input_ids, "token_emb": token_emb, "pos_emb": pos_emb}

def reference(input_ids, token_emb, pos_emb):
    B, T = input_ids.shape
    positions = jnp.arange(T)[None, :]  # [1, T]
    tok = jnp.take(token_emb, input_ids, axis=0)          # [B, T, H]
    pos = jnp.take(pos_emb, positions, axis=0)             # [1, T, H]
    return tok + pos

if __name__ == "__main__":
    import jax
    _d = setup_inputs()
    print(jax.jit(kernel)(*tuple(_d.values())))

</pallas_src>

<mosaic_0001>
#map = affine_map<(d0, d1) -> (0)>
#map1 = affine_map<(d0, d1) -> (0, 0)>
module attributes {stable_mosaic.version = 14 : i64} {
  func.func @_body(%arg0: i32, %arg1: i32, %arg2: memref<819200xi32, #tpu.memory_space<hbm>>, %arg3: memref<1000000x128xf32, #tpu.memory_space<hbm>>, %arg4: memref<200x64xf32, #tpu.memory_space<hbm>>, %arg5: memref<819200x128xf32, #tpu.memory_space<hbm>>, %arg6: memref<25600xi32, #tpu.memory_space<vmem>>, %arg7: memref<3x200x128xf32, #tpu.memory_space<vmem>>, %arg8: memref<200x64xf32, #tpu.memory_space<vmem>>, %arg9: memref<!tpu.dma_semaphore, #tpu.memory_space<semaphore_mem>>, %arg10: memref<!tpu.dma_semaphore, #tpu.memory_space<semaphore_mem>>, %arg11: memref<!tpu.dma_semaphore, #tpu.memory_space<semaphore_mem>>, %arg12: memref<!tpu.dma_semaphore, #tpu.memory_space<semaphore_mem>>, %arg13: memref<!tpu.dma_semaphore, #tpu.memory_space<semaphore_mem>>, %arg14: memref<!tpu.dma_semaphore, #tpu.memory_space<semaphore_mem>>) attributes {dimension_semantics = [#tpu.dimension_semantics<core_parallel>, #tpu.dimension_semantics<subcore_parallel>], iteration_bounds = array<i64: 2, 16>, scalar_prefetch = 0 : i64, scratch_operands = 9 : i64, tpu.core_type = #tpu.core_type<sc_vector_subcore>, window_params = [{transform_indices = #map}, {transform_indices = #map1}, {transform_indices = #map1}, {transform_indices = #map1}]} {
    %mul3A = arith.constant 2 : i32
    %mul3A_0 = arith.muli %arg1, %mul3A : i32
    %add3A = arith.addi %mul3A_0, %arg0 : i32
    %mul3A_1 = arith.constant 25600 : i32
    %mul3A_2 = arith.muli %add3A, %mul3A_1 : i32
    "tpu.region"() ({
      %run_scoped3A = tpu.sem_alloc : memref<!tpu.dma_semaphore, #tpu.memory_space<semaphore_mem>>
      %dma_start3A_70 = tpu.memref_slice %arg2[%mul3A_2] : memref<819200xi32, #tpu.memory_space<hbm>> -> memref<25600xi32, #tpu.memory_space<hbm>>
      %dma_start3A_71 = tpu.memref_slice %arg2[%mul3A_2] : memref<819200xi32, #tpu.memory_space<hbm>> -> memref<25600xi32, #tpu.memory_space<hbm>>
      tpu.enqueue_dma source(%dma_start3A_71 : memref<25600xi32, #tpu.memory_space<hbm>>) target(%arg6 : memref<25600xi32, #tpu.memory_space<vmem>>) target_semaphore(%run_scoped3A : memref<!tpu.dma_semaphore, #tpu.memory_space<semaphore_mem>>)
      %dma_wait3A_72 = tpu.memref_slice %arg2[%mul3A_2] : memref<819200xi32, #tpu.memory_space<hbm>> -> memref<25600xi32, #tpu.memory_space<hbm>>
      %dma_wait3A_73 = tpu.memref_slice %arg2[%mul3A_2] : memref<819200xi32, #tpu.memory_space<hbm>> -> memref<25600xi32, #tpu.memory_space<hbm>>
      tpu.wait_dma2 semaphore(%run_scoped3A : memref<!tpu.dma_semaphore, #tpu.memory_space<semaphore_mem>>) src(%dma_wait3A_73 : memref<25600xi32, #tpu.memory_space<hbm>>) dst(%arg6 : memref<25600xi32, #tpu.memory_space<vmem>>)
      tpu.yield
    }) : () -> ()
    "tpu.region"() ({
      %run_scoped3A = tpu.sem_alloc : memref<!tpu.dma_semaphore, #tpu.memory_space<semaphore_mem>>
      tpu.enqueue_dma source(%arg4 : memref<200x64xf32, #tpu.memory_space<hbm>>) target(%arg8 : memref<200x64xf32, #tpu.memory_space<vmem>>) target_semaphore(%run_scoped3A : memref<!tpu.dma_semaphore, #tpu.memory_space<semaphore_mem>>)
      tpu.wait_dma2 semaphore(%run_scoped3A : memref<!tpu.dma_semaphore, #tpu.memory_space<semaphore_mem>>) src(%arg4 : memref<200x64xf32, #tpu.memory_space<hbm>>) dst(%arg8 : memref<200x64xf32, #tpu.memory_space<vmem>>)
      tpu.yield
    }) : () -> ()
    %dma_start3A = arith.constant 0 : i32
    %dma_start3A_3 = arith.constant 0 : i32
    %dma_start3A_4 = arith.constant 0 : i32
    %dma_start3A_5 = tpu.memref_slice %arg7[%dma_start3A, %dma_start3A_3, %dma_start3A_4] : memref<3x200x128xf32, #tpu.memory_space<vmem>> -> memref<1x200x128xf32, #tpu.memory_space<vmem>>
    %dma_start3A_6 = tpu.memref_squeeze %dma_start3A_5 : memref<1x200x128xf32, #tpu.memory_space<vmem>> -> memref<200x128xf32, #tpu.memory_space<vmem>>
    %dma_start3A_7 = arith.constant 0 : i32
    %dma_start3A_8 = tpu.memref_slice %arg6[%dma_start3A_7] : memref<25600xi32, #tpu.memory_space<vmem>> -> memref<200xi32, #tpu.memory_space<vmem>>
    %dma_start3A_9 = arith.constant 0 : i32
    %dma_start3A_10 = arith.constant 0 : i32
    %dma_start3A_11 = tpu.memref_slice %arg3[%dma_start3A_9, %dma_start3A_10] : memref<1000000x128xf32, #tpu.memory_space<hbm>> -> memref<1000000x128xf32, #tpu.memory_space<hbm>>
    tpu.enqueue_indirect_dma source(%dma_start3A_11 : memref<1000000x128xf32, #tpu.memory_space<hbm>>) target(%dma_start3A_6 : memref<200x128xf32, #tpu.memory_space<vmem>>) offsets(%dma_start3A_8 : memref<200xi32, #tpu.memory_space<vmem>>) semaphore(%arg9 : memref<!tpu.dma_semaphore, #tpu.memory_space<semaphore_mem>>)
    %dma_start3A_12 = arith.constant 1 : i32
    %dma_start3A_13 = arith.constant 0 : i32
    %dma_start3A_14 = arith.constant 0 : i32
    %dma_start3A_15 = tpu.memref_slice %arg7[%dma_start3A_12, %dma_start3A_13, %dma_start3A_14] : memref<3x200x128xf32, #tpu.memory_space<vmem>> -> memref<1x200x128xf32, #tpu.memory_space<vmem>>
    %dma_start3A_16 = tpu.memref_squeeze %dma_start3A_15 : memref<1x200x128xf32, #tpu.memory_space<vmem>> -> memref<200x128xf32, #tpu.memory_space<vmem>>
    %dma_start3A_17 = arith.constant 200 : i32
    %dma_start3A_18 = tpu.memref_slice %arg6[%dma_start3A_17] : memref<25600xi32, #tpu.memory_space<vmem>> -> memref<200xi32, #tpu.memory_space<vmem>>
    %dma_start3A_19 = arith.constant 0 : i32
    %dma_start3A_20 = arith.constant 0 : i32
    %dma_start3A_21 = tpu.memref_slice %arg3[%dma_start3A_19, %dma_start3A_20] : memref<1000000x128xf32, #tpu.memory_space<hbm>> -> memref<1000000x128xf32, #tpu.memory_space<hbm>>
    tpu.enqueue_indirect_dma source(%dma_start3A_21 : memref<1000000x128xf32, #tpu.memory_space<hbm>>) target(%dma_start3A_16 : memref<200x128xf32, #tpu.memory_space<vmem>>) offsets(%dma_start3A_18 : memref<200xi32, #tpu.memory_space<vmem>>) semaphore(%arg10 : memref<!tpu.dma_semaphore, #tpu.memory_space<semaphore_mem>>)
    %scan3A = arith.constant 0 : i32
    %scan3A_22 = arith.constant 43 : i32
    %scan3A_23 = arith.addi %scan3A, %scan3A_22 : i32
    %scan3A_24 = arith.constant 1 : i32
    scf.for %scan3A_70 = %scan3A to %scan3A_23 step %scan3A_24  : i32 {
      %mul3A_71 = arith.constant 3 : i32
      %mul3A_72 = arith.muli %scan3A_70, %mul3A_71 : i32
      %add3A_73 = arith.constant 0 : i32
      %add3A_74 = arith.addi %add3A_73, %mul3A_72 : i32
      %add3A_75 = arith.constant 0 : i32
      %add3A_76 = arith.addi %add3A_74, %add3A_75 : i32
      %lt3A = arith.constant 128 : i32
      %lt3A_77 = arith.cmpi slt, %add3A_76, %lt3A : i32
      %convert_element_type3A = arith.extui %lt3A_77 : i1 to i32
      %cond3A = arith.constant 0 : i32
      %cond3A_78 = arith.cmpi ne, %convert_element_type3A, %cond3A : i32
      scf.if %cond3A_78 {
        %mul3A_93 = arith.constant 200 : i32
        %mul3A_94 = arith.muli %add3A_76, %mul3A_93 : i32
        %dma_wait3A_95 = arith.constant 0 : i32
        %dma_wait3A_96 = arith.constant 0 : i32
        %dma_wait3A_97 = arith.constant 0 : i32
        %dma_wait3A_98 = tpu.memref_slice %arg7[%dma_wait3A_95, %dma_wait3A_96, %dma_wait3A_97] : memref<3x200x128xf32, #tpu.memory_space<vmem>> -> memref<1x200x128xf32, #tpu.memory_space<vmem>>
        %dma_wait3A_99 = tpu.memref_squeeze %dma_wait3A_98 : memref<1x200x128xf32, #tpu.memory_space<vmem>> -> memref<200x128xf32, #tpu.memory_space<vmem>>
        %dma_wait3A_100 = tpu.memref_slice %arg6[%mul3A_94] : memref<25600xi32, #tpu.memory_space<vmem>> -> memref<200xi32, #tpu.memory_space<vmem>>
        %dma_wait3A_101 = arith.constant 0 : i32
        %dma_wait3A_102 = arith.constant 0 : i32
        %dma_wait3A_103 = tpu.memref_slice %arg3[%dma_wait3A_101, %dma_wait3A_102] : memref<1000000x128xf32, #tpu.memory_space<hbm>> -> memref<1000000x128xf32, #tpu.memory_space<hbm>>
        tpu.wait_indirect_dma semaphore(%arg9 : memref<!tpu.dma_semaphore, #tpu.memory_space<semaphore_mem>>) src(%dma_wait3A_103 : memref<1000000x128xf32, #tpu.memory_space<hbm>>) dst(%dma_wait3A_99 : memref<200x128xf32, #tpu.memory_space<vmem>>)
        %scan3A_104 = arith.constant 0 : i32
        %scan3A_105 = arith.constant 200 : i32
        %scan3A_106 = arith.addi %scan3A_104, %scan3A_105 : i32
        %scan3A_107 = arith.constant 2 : i32
        scf.for %scan3A_132 = %scan3A_104 to %scan3A_106 step %scan3A_107  : i32 {
          %mul3A_133 = arith.constant 1 : i32
          %mul3A_134 = arith.muli %scan3A_132, %mul3A_133 : i32
          %add3A_135 = arith.constant 0 : i32
          %add3A_136 = arith.addi %add3A_135, %mul3A_134 : i32
          %get3A = arith.constant 0 : i32
          %get3A_137 = arith.index_cast %get3A : i32 to index
          %get3A_138 = arith.index_cast %add3A_136 : i32 to index
          %get3A_139 = arith.constant 0 : index
          %get3A_140 = tpu.vector_load %arg7[%get3A_137, %get3A_138, %get3A_139] {strides = array<i32>} : memref<3x200x128xf32, #tpu.memory_space<vmem>>, vector<1x1x16xf32>,
          %get3A_141 = vector.shape_cast %get3A_140 : vector<1x1x16xf32> to vector<16xf32>
          %get3A_142 = arith.index_cast %add3A_136 : i32 to index
          %get3A_143 = arith.constant 0 : index
          %get3A_144 = tpu.vector_load %arg8[%get3A_142, %get3A_143] {strides = array<i32>} : memref<200x64xf32, #tpu.memory_space<vmem>>, vector<1x16xf32>,
          %get3A_145 = vector.shape_cast %get3A_144 : vector<1x16xf32> to vector<16xf32>
          %add3A_146 = arith.addf %get3A_141, %get3A_145 : vector<16xf32>
          %swap3A = arith.constant 0 : i32
          %swap3A_147 = arith.index_cast %swap3A : i32 to index
          %swap3A_148 = arith.index_cast %add3A_136 : i32 to index
          %swap3A_149 = arith.constant 0 : index
          %swap3A_150 = tpu.vector_load %arg7[%swap3A_147, %swap3A_148, %swap3A_149] {strides = array<i32>} : memref<3x200x128xf32, #tpu.memory_space<vmem>>, vector<1x1x16xf32>,
          %swap3A_151 = vector.shape_cast %swap3A_150 : vector<1x1x16xf32> to vector<16xf32>
          %swap3A_152 = vector.shape_cast %add3A_146 : vector<16xf32> to vector<1x1x16xf32>
          tpu.vector_store %arg7[%swap3A_147, %swap3A_148, %swap3A_149], %swap3A_152 {strides = array<i32>} : memref<3x200x128xf32, #tpu.memory_space<vmem>>, vector<1x1x16xf32>,
          %get3A_153 = arith.constant 0 : i32
          %get3A_154 = arith.index_cast %get3A_153 : i32 to index
          %get3A_155 = arith.index_cast %add3A_136 : i32 to index
          %get3A_156 = arith.constant 16 : index
          %get3A_157 = tpu.vector_load %arg7[%get3A_154, %get3A_155, %get3A_156] {strides = array<i32>} : memref<3x200x128xf32, #tpu.memory_space<vmem>>, vector<1x1x16xf32>,
          %get3A_158 = vector.shape_cast %get3A_157 : vector<1x1x16xf32> to vector<16xf32>
          %get3A_159 = arith.index_cast %add3A_136 : i32 to index
          %get3A_160 = arith.constant 16 : index
          %get3A_161 = tpu.vector_load %arg8[%get3A_159, %get3A_160] {strides = array<i32>} : memref<200x64xf32, #tpu.memory_space<vmem>>, vector<1x16xf32>,
          %get3A_162 = vector.shape_cast %get3A_161 : vector<1x16xf32> to vector<16xf32>
          %add3A_163 = arith.addf %get3A_158, %get3A_162 : vector<16xf32>
          %swap3A_164 = arith.constant 0 : i32
          %swap3A_165 = arith.index_cast %swap3A_164 : i32 to index
          %swap3A_166 = arith.index_cast %add3A_136 : i32 to index
          %swap3A_167 = arith.constant 16 : index
          %swap3A_168 = tpu.vector_load %arg7[%swap3A_165, %swap3A_166, %swap3A_167] {strides = array<i32>} : memref<3x200x128xf32, #tpu.memory_space<vmem>>, vector<1x1x16xf32>,
          %swap3A_169 = vector.shape_cast %swap3A_168 : vector<1x1x16xf32> to vector<16xf32>
          %swap3A_170 = vector.shape_cast %add3A_163 : vector<16xf32> to vector<1x1x16xf32>
          tpu.vector_store %arg7[%swap3A_165, %swap3A_166, %swap3A_167], %swap3A_170 {strides = array<i32>} : memref<3x200x128xf32, #tpu.memory_space<vmem>>, vector<1x1x16xf32>,
          %get3A_171 = arith.constant 0 : i32
          %get3A_172 = arith.index_cast %get3A_171 : i32 to index
          %get3A_173 = arith.index_cast %add3A_136 : i32 to index
          %get3A_174 = arith.constant 32 : index
          %get3A_175 = tpu.vector_load %arg7[%get3A_172, %get3A_173, %get3A_174] {strides = array<i32>} : memref<3x200x128xf32, #tpu.memory_space<vmem>>, vector<1x1x16xf32>,
          %get3A_176 = vector.shape_cast %get3A_175 : vector<1x1x16xf32> to vector<16xf32>
          %get3A_177 = arith.index_cast %add3A_136 : i32 to index
          %get3A_178 = arith.constant 32 : index
          %get3A_179 = tpu.vector_load %arg8[%get3A_177, %get3A_178] {strides = array<i32>} : memref<200x64xf32, #tpu.memory_space<vmem>>, vector<1x16xf32>,
          %get3A_180 = vector.shape_cast %get3A_179 : vector<1x16xf32> to vector<16xf32>
          %add3A_181 = arith.addf %get3A_176, %get3A_180 : vector<16xf32>
          %swap3A_182 = arith.constant 0 : i32
          %swap3A_183 = arith.index_cast %swap3A_182 : i32 to index
          %swap3A_184 = arith.index_cast %add3A_136 : i32 to index
          %swap3A_185 = arith.constant 32 : index
          %swap3A_186 = tpu.vector_load %arg7[%swap3A_183, %swap3A_184, %swap3A_185] {strides = array<i32>} : memref<3x200x128xf32, #tpu.memory_space<vmem>>, vector<1x1x16xf32>,
          %swap3A_187 = vector.shape_cast %swap3A_186 : vector<1x1x16xf32> to vector<16xf32>
          %swap3A_188 = vector.shape_cast %add3A_181 : vector<16xf32> to vector<1x1x16xf32>
          tpu.vector_store %arg7[%swap3A_183, %swap3A_184, %swap3A_185], %swap3A_188 {strides = array<i32>} : memref<3x200x128xf32, #tpu.memory_space<vmem>>, vector<1x1x16xf32>,
          %get3A_189 = arith.constant 0 : i32
          %get3A_190 = arith.index_cast %get3A_189 : i32 to index
          %get3A_191 = arith.index_cast %add3A_136 : i32 to index
          %get3A_192 = arith.constant 48 : index
          %get3A_193 = tpu.vector_load %arg7[%get3A_190, %get3A_191, %get3A_192] {strides = array<i32>} : memref<3x200x128xf32, #tpu.memory_space<vmem>>, vector<1x1x16xf32>,
          %get3A_194 = vector.shape_cast %get3A_193 : vector<1x1x16xf32> to vector<16xf32>
          %get3A_195 = arith.index_cast %add3A_136 : i32 to index
          %get3A_196 = arith.constant 48 : index
          %get3A_197 = tpu.vector_load %arg8[%get3A_195, %get3A_196] {strides = array<i32>} : memref<200x64xf32, #tpu.memory_space<vmem>>, vector<1x16xf32>,
          %get3A_198 = vector.shape_cast %get3A_197 : vector<1x16xf32> to vector<16xf32>
          %add3A_199 = arith.addf %get3A_194, %get3A_198 : vector<16xf32>
          %swap3A_200 = arith.constant 0 : i32
          %swap3A_201 = arith.index_cast %swap3A_200 : i32 to index
          %swap3A_202 = arith.index_cast %add3A_136 : i32 to index
          %swap3A_203 = arith.constant 48 : index
          %swap3A_204 = tpu.vector_load %arg7[%swap3A_201, %swap3A_202, %swap3A_203] {strides = array<i32>} : memref<3x200x128xf32, #tpu.memory_space<vmem>>, vector<1x1x16xf32>,
          %swap3A_205 = vector.shape_cast %swap3A_204 : vector<1x1x16xf32> to vector<16xf32>
          %swap3A_206 = vector.shape_cast %add3A_199 : vector<16xf32> to vector<1x1x16xf32>
          tpu.vector_store %arg7[%swap3A_201, %swap3A_202, %swap3A_203], %swap3A_206 {strides = array<i32>} : memref<3x200x128xf32, #tpu.memory_space<vmem>>, vector<1x1x16xf32>,
          %scan3A_207 = arith.constant 1 : i32
          %scan3A_208 = arith.addi %scan3A_132, %scan3A_207 : i32
          %mul3A_209 = arith.constant 1 : i32
          %mul3A_210 = arith.muli %scan3A_208, %mul3A_209 : i32
          %add3A_211 = arith.constant 0 : i32
          %add3A_212 = arith.addi %add3A_211, %mul3A_210 : i32
          %get3A_213 = arith.constant 0 : i32
          %get3A_214 = arith.index_cast %get3A_213 : i32 to index
          %get3A_215 = arith.index_cast %add3A_212 : i32 to index
          %get3A_216 = arith.constant 0 : index
          %get3A_217 = tpu.vector_load %arg7[%get3A_214, %get3A_215, %get3A_216] {strides = array<i32>} : memref<3x200x128xf32, #tpu.memory_space<vmem>>, vector<1x1x16xf32>,
          %get3A_218 = vector.shape_cast %get3A_217 : vector<1x1x16xf32> to vector<16xf32>
          %get3A_219 = arith.index_cast %add3A_212 : i32 to index
          %get3A_220 = arith.constant 0 : index
          %get3A_221 = tpu.vector_load %arg8[%get3A_219, %get3A_220] {strides = array<i32>} : memref<200x64xf32, #tpu.memory_space<vmem>>, vector<1x16xf32>,
          %get3A_222 = vector.shape_cast %get3A_221 : vector<1x16xf32> to vector<16xf32>
          %add3A_223 = arith.addf %get3A_218, %get3A_222 : vector<16xf32>
          %swap3A_224 = arith.constant 0 : i32
          %swap3A_225 = arith.index_cast %swap3A_224 : i32 to index
          %swap3A_226 = arith.index_cast %add3A_212 : i32 to index
          %swap3A_227 = arith.constant 0 : index
          %swap3A_228 = tpu.vector_load %arg7[%swap3A_225, %swap3A_226, %swap3A_227] {strides = array<i32>} : memref<3x200x128xf32, #tpu.memory_space<vmem>>, vector<1x1x16xf32>,
          %swap3A_229 = vector.shape_cast %swap3A_228 : vector<1x1x16xf32> to vector<16xf32>
          %swap3A_230 = vector.shape_cast %add3A_223 : vector<16xf32> to vector<1x1x16xf32>
          tpu.vector_store %arg7[%swap3A_225, %swap3A_226, %swap3A_227], %swap3A_230 {strides = array<i32>} : memref<3x200x128xf32, #tpu.memory_space<vmem>>, vector<1x1x16xf32>,
          %get3A_231 = arith.constant 0 : i32
          %get3A_232 = arith.index_cast %get3A_231 : i32 to index
          %get3A_233 = arith.index_cast %add3A_212 : i32 to index
          %get3A_234 = arith.constant 16 : index
          %get3A_235 = tpu.vector_load %arg7[%get3A_232, %get3A_233, %get3A_234] {strides = array<i32>} : memref<3x200x128xf32, #tpu.memory_space<vmem>>, vector<1x1x16xf32>,
          %get3A_236 = vector.shape_cast %get3A_235 : vector<1x1x16xf32> to vector<16xf32>
          %get3A_237 = arith.index_cast %add3A_212 : i32 to index
          %get3A_238 = arith.constant 16 : index
          %get3A_239 = tpu.vector_load %arg8[%get3A_237, %get3A_238] {strides = array<i32>} : memref<200x64xf32, #tpu.memory_space<vmem>>, vector<1x16xf32>,
          %get3A_240 = vector.shape_cast %get3A_239 : vector<1x16xf32> to vector<16xf32>
          %add3A_241 = arith.addf %get3A_236, %get3A_240 : vector<16xf32>
          %swap3A_242 = arith.constant 0 : i32
          %swap3A_243 = arith.index_cast %swap3A_242 : i32 to index
          %swap3A_244 = arith.index_cast %add3A_212 : i32 to index
          %swap3A_245 = arith.constant 16 : index
          %swap3A_246 = tpu.vector_load %arg7[%swap3A_243, %swap3A_244, %swap3A_245] {strides = array<i32>} : memref<3x200x128xf32, #tpu.memory_space<vmem>>, vector<1x1x16xf32>,
          %swap3A_247 = vector.shape_cast %swap3A_246 : vector<1x1x16xf32> to vector<16xf32>
          %swap3A_248 = vector.shape_cast %add3A_241 : vector<16xf32> to vector<1x1x16xf32>
          tpu.vector_store %arg7[%swap3A_243, %swap3A_244, %swap3A_245], %swap3A_248 {strides = array<i32>} : memref<3x200x128xf32, #tpu.memory_space<vmem>>, vector<1x1x16xf32>,
          %get3A_249 = arith.constant 0 : i32
          %get3A_250 = arith.index_cast %get3A_249 : i32 to index
          %get3A_251 = arith.index_cast %add3A_212 : i32 to index
          %get3A_252 = arith.constant 32 : index
          %get3A_253 = tpu.vector_load %arg7[%get3A_250, %get3A_251, %get3A_252] {strides = array<i32>} : memref<3x200x128xf32, #tpu.memory_space<vmem>>, vector<1x1x16xf32>,
          %get3A_254 = vector.shape_cast %get3A_253 : vector<1x1x16xf32> to vector<16xf32>
          %get3A_255 = arith.index_cast %add3A_212 : i32 to index
          %get3A_256 = arith.constant 32 : index
          %get3A_257 = tpu.vector_load %arg8[%get3A_255, %get3A_256] {strides = array<i32>} : memref<200x64xf32, #tpu.memory_space<vmem>>, vector<1x16xf32>,
          %get3A_258 = vector.shape_cast %get3A_257 : vector<1x16xf32> to vector<16xf32>
          %add3A_259 = arith.addf %get3A_254, %get3A_258 : vector<16xf32>
          %swap3A_260 = arith.constant 0 : i32
          %swap3A_261 = arith.index_cast %swap3A_260 : i32 to index
          %swap3A_262 = arith.index_cast %add3A_212 : i32 to index
          %swap3A_263 = arith.constant 32 : index
          %swap3A_264 = tpu.vector_load %arg7[%swap3A_261, %swap3A_262, %swap3A_263] {strides = array<i32>} : memref<3x200x128xf32, #tpu.memory_space<vmem>>, vector<1x1x16xf32>,
          %swap3A_265 = vector.shape_cast %swap3A_264 : vector<1x1x16xf32> to vector<16xf32>
          %swap3A_266 = vector.shape_cast %add3A_259 : vector<16xf32> to vector<1x1x16xf32>
          tpu.vector_store %arg7[%swap3A_261, %swap3A_262, %swap3A_263], %swap3A_266 {strides = array<i32>} : memref<3x200x128xf32, #tpu.memory_space<vmem>>, vector<1x1x16xf32>,
          %get3A_267 = arith.constant 0 : i32
          %get3A_268 = arith.index_cast %get3A_267 : i32 to index
          %get3A_269 = arith.index_cast %add3A_212 : i32 to index
          %get3A_270 = arith.constant 48 : index
          %get3A_271 = tpu.vector_load %arg7[%get3A_268, %get3A_269, %get3A_270] {strides = array<i32>} : memref<3x200x128xf32, #tpu.memory_space<vmem>>, vector<1x1x16xf32>,
          %get3A_272 = vector.shape_cast %get3A_271 : vector<1x1x16xf32> to vector<16xf32>
          %get3A_273 = arith.index_cast %add3A_212 : i32 to index
          %get3A_274 = arith.constant 48 : index
          %get3A_275 = tpu.vector_load %arg8[%get3A_273, %get3A_274] {strides = array<i32>} : memref<200x64xf32, #tpu.memory_space<vmem>>, vector<1x16xf32>,
          %get3A_276 = vector.shape_cast %get3A_275 : vector<1x16xf32> to vector<16xf32>
          %add3A_277 = arith.addf %get3A_272, %get3A_276 : vector<16xf32>
          %swap3A_278 = arith.constant 0 : i32
          %swap3A_279 = arith.index_cast %swap3A_278 : i32 to index
          %swap3A_280 = arith.index_cast %add3A_212 : i32 to index
          %swap3A_281 = arith.constant 48 : index
          %swap3A_282 = tpu.vector_load %arg7[%swap3A_279, %swap3A_280, %swap3A_281] {strides = array<i32>} : memref<3x200x128xf32, #tpu.memory_space<vmem>>, vector<1x1x16xf32>,
          %swap3A_283 = vector.shape_cast %swap3A_282 : vector<1x1x16xf32> to vector<16xf32>
          %swap3A_284 = vector.shape_cast %add3A_277 : vector<16xf32> to vector<1x1x16xf32>
          tpu.vector_store %arg7[%swap3A_279, %swap3A_280, %swap3A_281], %swap3A_284 {strides = array<i32>} : memref<3x200x128xf32, #tpu.memory_space<vmem>>, vector<1x1x16xf32>,
        }
        %scan3A_108 = arith.constant 200 : i32
        %add3A_109 = arith.constant 2 : i32
        %add3A_110 = arith.addi %add3A_76, %add3A_109 : i32
        %lt3A_111 = arith.constant 128 : i32
        %lt3A_112 = arith.cmpi slt, %add3A_110, %lt3A_111 : i32
        %convert_element_type3A_113 = arith.extui %lt3A_112 : i1 to i32
        %cond3A_114 = arith.constant 0 : i32
        %cond3A_115 = arith.cmpi ne, %convert_element_type3A_113, %cond3A_114 : i32
        scf.if %cond3A_115 {
          %ge3A = arith.constant 1 : i32
          %ge3A_132 = arith.cmpi sge, %add3A_76, %ge3A : i32
          %convert_element_type3A_133 = arith.extui %ge3A_132 : i1 to i32
          %cond3A_134 = arith.constant 0 : i32
          %cond3A_135 = arith.cmpi ne, %convert_element_type3A_133, %cond3A_134 : i32
          scf.if %cond3A_135 {
            %dma_wait3A_147 = arith.constant 2 : i32
            %dma_wait3A_148 = arith.constant 0 : i32
            %dma_wait3A_149 = arith.constant 0 : i32
            %dma_wait3A_150 = tpu.memref_slice %arg7[%dma_wait3A_147, %dma_wait3A_148, %dma_wait3A_149] : memref<3x200x128xf32, #tpu.memory_space<vmem>> -> memref<1x200x128xf32, #tpu.memory_space<vmem>>
            %dma_wait3A_151 = tpu.memref_squeeze %dma_wait3A_150 : memref<1x200x128xf32, #tpu.memory_space<vmem>> -> memref<200x128xf32, #tpu.memory_space<vmem>>
            %dma_wait3A_152 = arith.constant 0 : i32
            %dma_wait3A_153 = arith.constant 0 : i32
            %dma_wait3A_154 = tpu.memref_slice %arg5[%dma_wait3A_152, %dma_wait3A_153] : memref<819200x128xf32, #tpu.memory_space<hbm>> -> memref<200x128xf32, #tpu.memory_space<hbm>>
            %dma_wait3A_155 = arith.constant 0 : i32
            %dma_wait3A_156 = arith.constant 0 : i32
            %dma_wait3A_157 = tpu.memref_slice %arg5[%dma_wait3A_155, %dma_wait3A_156] : memref<819200x128xf32, #tpu.memory_space<hbm>> -> memref<200x128xf32, #tpu.memory_space<hbm>>
            %dma_wait3A_158 = arith.constant 0 : i32
            %dma_wait3A_159 = arith.constant 0 : i32
            %dma_wait3A_160 = tpu.memref_slice %arg7[%dma_wait3A_147, %dma_wait3A_158, %dma_wait3A_159] : memref<3x200x128xf32, #tpu.memory_space<vmem>> -> memref<1x200x128xf32, #tpu.memory_space<vmem>>
            %dma_wait3A_161 = tpu.memref_squeeze %dma_wait3A_160 : memref<1x200x128xf32, #tpu.memory_space<vmem>> -> memref<200x128xf32, #tpu.memory_space<vmem>>
            tpu.wait_dma2 semaphore(%arg14 : memref<!tpu.dma_semaphore, #tpu.memory_space<semaphore_mem>>) src(%dma_wait3A_161 : memref<200x128xf32, #tpu.memory_space<vmem>>) dst(%dma_wait3A_157 : memref<200x128xf32, #tpu.memory_space<hbm>>)
          } else {
          }
          %mul3A_136 = arith.constant 200 : i32
          %mul3A_137 = arith.muli %add3A_110, %mul3A_136 : i32
          %dma_start3A_138 = arith.constant 2 : i32
          %dma_start3A_139 = arith.constant 0 : i32
          %dma_start3A_140 = arith.constant 0 : i32
          %dma_start3A_141 = tpu.memref_slice %arg7[%dma_start3A_138, %dma_start3A_139, %dma_start3A_140] : memref<3x200x128xf32, #tpu.memory_space<vmem>> -> memref<1x200x128xf32, #tpu.memory_space<vmem>>
          %dma_start3A_142 = tpu.memref_squeeze %dma_start3A_141 : memref<1x200x128xf32, #tpu.memory_space<vmem>> -> memref<200x128xf32, #tpu.memory_space<vmem>>
          %dma_start3A_143 = tpu.memref_slice %arg6[%mul3A_137] : memref<25600xi32, #tpu.memory_space<vmem>> -> memref<200xi32, #tpu.memory_space<vmem>>
          %dma_start3A_144 = arith.constant 0 : i32
          %dma_start3A_145 = arith.constant 0 : i32
          %dma_start3A_146 = tpu.memref_slice %arg3[%dma_start3A_144, %dma_start3A_145] : memref<1000000x128xf32, #tpu.memory_space<hbm>> -> memref<1000000x128xf32, #tpu.memory_space<hbm>>
          tpu.enqueue_indirect_dma source(%dma_start3A_146 : memref<1000000x128xf32, #tpu.memory_space<hbm>>) target(%dma_start3A_142 : memref<200x128xf32, #tpu.memory_space<vmem>>) offsets(%dma_start3A_143 : memref<200xi32, #tpu.memory_space<vmem>>) semaphore(%arg11 : memref<!tpu.dma_semaphore, #tpu.memory_space<semaphore_mem>>)
        } else {
        }
        %mul3A_116 = arith.constant 200 : i32
        %mul3A_117 = arith.muli %add3A_76, %mul3A_116 : i32
        %add3A_118 = arith.addi %mul3A_2, %mul3A_117 : i32
        %dma_start3A_119 = arith.constant 0 : i32
        %dma_start3A_120 = arith.constant 0 : i32
        %dma_start3A_121 = arith.constant 0 : i32
        %dma_start3A_122 = tpu.memref_slice %arg7[%dma_start3A_119, %dma_start3A_120, %dma_start3A_121] : memref<3x200x128xf32, #tpu.memory_space<vmem>> -> memref<1x200x128xf32, #tpu.memory_space<vmem>>
        %dma_start3A_123 = tpu.memref_squeeze %dma_start3A_122 : memref<1x200x128xf32, #tpu.memory_space<vmem>> -> memref<200x128xf32, #tpu.memory_space<vmem>>
        %dma_start3A_124 = arith.constant 0 : i32
        %dma_start3A_125 = tpu.memref_slice %arg5[%add3A_118, %dma_start3A_124] : memref<819200x128xf32, #tpu.memory_space<hbm>> -> memref<200x128xf32, #tpu.memory_space<hbm>>
        %dma_start3A_126 = arith.constant 0 : i32
        %dma_start3A_127 = tpu.memref_slice %arg5[%add3A_118, %dma_start3A_126] : memref<819200x128xf32, #tpu.memory_space<hbm>> -> memref<200x128xf32, #tpu.memory_space<hbm>>
        %dma_start3A_128 = arith.constant 0 : i32
        %dma_start3A_129 = arith.constant 0 : i32
        %dma_start3A_130 = tpu.memref_slice %arg7[%dma_start3A_119, %dma_start3A_128, %dma_start3A_129] : memref<3x200x128xf32, #tpu.memory_space<vmem>> -> memref<1x200x128xf32, #tpu.memory_space<vmem>>
        %dma_start3A_131 = tpu.memref_squeeze %dma_start3A_130 : memref<1x200x128xf32, #tpu.memory_space<vmem>> -> memref<200x128xf32, #tpu.memory_space<vmem>>
        tpu.enqueue_dma source(%dma_start3A_131 : memref<200x128xf32, #tpu.memory_space<vmem>>) target(%dma_start3A_127 : memref<200x128xf32, #tpu.memory_space<hbm>>) target_semaphore(%arg12 : memref<!tpu.dma_semaphore, #tpu.memory_space<semaphore_mem>>)
      } else {
      }
      %add3A_79 = arith.constant 1 : i32
      %add3A_80 = arith.addi %add3A_74, %add3A_79 : i32
      %lt3A_81 = arith.constant 128 : i32
      %lt3A_82 = arith.cmpi slt, %add3A_80, %lt3A_81 : i32
      %convert_element_type3A_83 = arith.extui %lt3A_82 : i1 to i32
      %cond3A_84 = arith.constant 0 : i32
      %cond3A_85 = arith.cmpi ne, %convert_element_type3A_83, %cond3A_84 : i32
      scf.if %cond3A_85 {
        %mul3A_93 = arith.constant 200 : i32
        %mul3A_94 = arith.muli %add3A_80, %mul3A_93 : i32
        %dma_wait3A_95 = arith.constant 1 : i32
        %dma_wait3A_96 = arith.constant 0 : i32
        %dma_wait3A_97 = arith.constant 0 : i32
        %dma_wait3A_98 = tpu.memref_slice %arg7[%dma_wait3A_95, %dma_wait3A_96, %dma_wait3A_97] : memref<3x200x128xf32, #tpu.memory_space<vmem>> -> memref<1x200x128xf32, #tpu.memory_space<vmem>>
        %dma_wait3A_99 = tpu.memref_squeeze %dma_wait3A_98 : memref<1x200x128xf32, #tpu.memory_space<vmem>> -> memref<200x128xf32, #tpu.memory_space<vmem>>
        %dma_wait3A_100 = tpu.memref_slice %arg6[%mul3A_94] : memref<25600xi32, #tpu.memory_space<vmem>> -> memref<200xi32, #tpu.memory_space<vmem>>
        %dma_wait3A_101 = arith.constant 0 : i32
        %dma_wait3A_102 = arith.constant 0 : i32
        %dma_wait3A_103 = tpu.memref_slice %arg3[%dma_wait3A_101, %dma_wait3A_102] : memref<1000000x128xf32, #tpu.memory_space<hbm>> -> memref<1000000x128xf32, #tpu.memory_space<hbm>>
        tpu.wait_indirect_dma semaphore(%arg10 : memref<!tpu.dma_semaphore, #tpu.memory_space<semaphore_mem>>) src(%dma_wait3A_103 : memref<1000000x128xf32, #tpu.memory_space<hbm>>) dst(%dma_wait3A_99 : memref<200x128xf32, #tpu.memory_space<vmem>>)
        %scan3A_104 = arith.constant 0 : i32
        %scan3A_105 = arith.constant 200 : i32
        %scan3A_106 = arith.addi %scan3A_104, %scan3A_105 : i32
        %scan3A_107 = arith.constant 2 : i32
        scf.for %scan3A_132 = %scan3A_104 to %scan3A_106 step %scan3A_107  : i32 {
          %mul3A_133 = arith.constant 1 : i32
          %mul3A_134 = arith.muli %scan3A_132, %mul3A_133 : i32
          %add3A_135 = arith.constant 0 : i32
          %add3A_136 = arith.addi %add3A_135, %mul3A_134 : i32
          %get3A = arith.constant 1 : i32
          %get3A_137 = arith.index_cast %get3A : i32 to index
          %get3A_138 = arith.index_cast %add3A_136 : i32 to index
          %get3A_139 = arith.constant 0 : index
          %get3A_140 = tpu.vector_load %arg7[%get3A_137, %get3A_138, %get3A_139] {strides = array<i32>} : memref<3x200x128xf32, #tpu.memory_space<vmem>>, vector<1x1x16xf32>,
          %get3A_141 = vector.shape_cast %get3A_140 : vector<1x1x16xf32> to vector<16xf32>
          %get3A_142 = arith.index_cast %add3A_136 : i32 to index
          %get3A_143 = arith.constant 0 : index
          %get3A_144 = tpu.vector_load %arg8[%get3A_142, %get3A_143] {strides = array<i32>} : memref<200x64xf32, #tpu.memory_space<vmem>>, vector<1x16xf32>,
          %get3A_145 = vector.shape_cast %get3A_144 : vector<1x16xf32> to vector<16xf32>
          %add3A_146 = arith.addf %get3A_141, %get3A_145 : vector<16xf32>
          %swap3A = arith.constant 1 : i32
          %swap3A_147 = arith.index_cast %swap3A : i32 to index
          %swap3A_148 = arith.index_cast %add3A_136 : i32 to index
          %swap3A_149 = arith.constant 0 : index
          %swap3A_150 = tpu.vector_load %arg7[%swap3A_147, %swap3A_148, %swap3A_149] {strides = array<i32>} : memref<3x200x128xf32, #tpu.memory_space<vmem>>, vector<1x1x16xf32>,
          %swap3A_151 = vector.shape_cast %swap3A_150 : vector<1x1x16xf32> to vector<16xf32>
          %swap3A_152 = vector.shape_cast %add3A_146 : vector<16xf32> to vector<1x1x16xf32>
          tpu.vector_store %arg7[%swap3A_147, %swap3A_148, %swap3A_149], %swap3A_152 {strides = array<i32>} : memref<3x200x128xf32, #tpu.memory_space<vmem>>, vector<1x1x16xf32>,
          %get3A_153 = arith.constant 1 : i32
          %get3A_154 = arith.index_cast %get3A_153 : i32 to index
          %get3A_155 = arith.index_cast %add3A_136 : i32 to index
          %get3A_156 = arith.constant 16 : index
          %get3A_157 = tpu.vector_load %arg7[%get3A_154, %get3A_155, %get3A_156] {strides = array<i32>} : memref<3x200x128xf32, #tpu.memory_space<vmem>>, vector<1x1x16xf32>,
          %get3A_158 = vector.shape_cast %get3A_157 : vector<1x1x16xf32> to vector<16xf32>
          %get3A_159 = arith.index_cast %add3A_136 : i32 to index
          %get3A_160 = arith.constant 16 : index
          %get3A_161 = tpu.vector_load %arg8[%get3A_159, %get3A_160] {strides = array<i32>} : memref<200x64xf32, #tpu.memory_space<vmem>>, vector<1x16xf32>,
          %get3A_162 = vector.shape_cast %get3A_161 : vector<1x16xf32> to vector<16xf32>
          %add3A_163 = arith.addf %get3A_158, %get3A_162 : vector<16xf32>
          %swap3A_164 = arith.constant 1 : i32
          %swap3A_165 = arith.index_cast %swap3A_164 : i32 to index
          %swap3A_166 = arith.index_cast %add3A_136 : i32 to index
          %swap3A_167 = arith.constant 16 : index
          %swap3A_168 = tpu.vector_load %arg7[%swap3A_165, %swap3A_166, %swap3A_167] {strides = array<i32>} : memref<3x200x128xf32, #tpu.memory_space<vmem>>, vector<1x1x16xf32>,
          %swap3A_169 = vector.shape_cast %swap3A_168 : vector<1x1x16xf32> to vector<16xf32>
          %swap3A_170 = vector.shape_cast %add3A_163 : vector<16xf32> to vector<1x1x16xf32>
          tpu.vector_store %arg7[%swap3A_165, %swap3A_166, %swap3A_167], %swap3A_170 {strides = array<i32>} : memref<3x200x128xf32, #tpu.memory_space<vmem>>, vector<1x1x16xf32>,
          %get3A_171 = arith.constant 1 : i32
          %get3A_172 = arith.index_cast %get3A_171 : i32 to index
          %get3A_173 = arith.index_cast %add3A_136 : i32 to index
          %get3A_174 = arith.constant 32 : index
          %get3A_175 = tpu.vector_load %arg7[%get3A_172, %get3A_173, %get3A_174] {strides = array<i32>} : memref<3x200x128xf32, #tpu.memory_space<vmem>>, vector<1x1x16xf32>,
          %get3A_176 = vector.shape_cast %get3A_175 : vector<1x1x16xf32> to vector<16xf32>
          %get3A_177 = arith.index_cast %add3A_136 : i32 to index
          %get3A_178 = arith.constant 32 : index
          %get3A_179 = tpu.vector_load %arg8[%get3A_177, %get3A_178] {strides = array<i32>} : memref<200x64xf32, #tpu.memory_space<vmem>>, vector<1x16xf32>,
          %get3A_180 = vector.shape_cast %get3A_179 : vector<1x16xf32> to vector<16xf32>
          %add3A_181 = arith.addf %get3A_176, %get3A_180 : vector<16xf32>
          %swap3A_182 = arith.constant 1 : i32
          %swap3A_183 = arith.index_cast %swap3A_182 : i32 to index
          %swap3A_184 = arith.index_cast %add3A_136 : i32 to index
          %swap3A_185 = arith.constant 32 : index
          %swap3A_186 = tpu.vector_load %arg7[%swap3A_183, %swap3A_184, %swap3A_185] {strides = array<i32>} : memref<3x200x128xf32, #tpu.memory_space<vmem>>, vector<1x1x16xf32>,
          %swap3A_187 = vector.shape_cast %swap3A_186 : vector<1x1x16xf32> to vector<16xf32>
          %swap3A_188 = vector.shape_cast %add3A_181 : vector<16xf32> to vector<1x1x16xf32>
          tpu.vector_store %arg7[%swap3A_183, %swap3A_184, %swap3A_185], %swap3A_188 {strides = array<i32>} : memref<3x200x128xf32, #tpu.memory_space<vmem>>, vector<1x1x16xf32>,
          %get3A_189 = arith.constant 1 : i32
          %get3A_190 = arith.index_cast %get3A_189 : i32 to index
          %get3A_191 = arith.index_cast %add3A_136 : i32 to index
          %get3A_192 = arith.constant 48 : index
          %get3A_193 = tpu.vector_load %arg7[%get3A_190, %get3A_191, %get3A_192] {strides = array<i32>} : memref<3x200x128xf32, #tpu.memory_space<vmem>>, vector<1x1x16xf32>,
          %get3A_194 = vector.shape_cast %get3A_193 : vector<1x1x16xf32> to vector<16xf32>
          %get3A_195 = arith.index_cast %add3A_136 : i32 to index
          %get3A_196 = arith.constant 48 : index
          %get3A_197 = tpu.vector_load %arg8[%get3A_195, %get3A_196] {strides = array<i32>} : memref<200x64xf32, #tpu.memory_space<vmem>>, vector<1x16xf32>,
          %get3A_198 = vector.shape_cast %get3A_197 : vector<1x16xf32> to vector<16xf32>
          %add3A_199 = arith.addf %get3A_194, %get3A_198 : vector<16xf32>
          %swap3A_200 = arith.constant 1 : i32
          %swap3A_201 = arith.index_cast %swap3A_200 : i32 to index
          %swap3A_202 = arith.index_cast %add3A_136 : i32 to index
          %swap3A_203 = arith.constant 48 : index
          %swap3A_204 = tpu.vector_load %arg7[%swap3A_201, %swap3A_202, %swap3A_203] {strides = array<i32>} : memref<3x200x128xf32, #tpu.memory_space<vmem>>, vector<1x1x16xf32>,
          %swap3A_205 = vector.shape_cast %swap3A_204 : vector<1x1x16xf32> to vector<16xf32>
          %swap3A_206 = vector.shape_cast %add3A_199 : vector<16xf32> to vector<1x1x16xf32>
          tpu.vector_store %arg7[%swap3A_201, %swap3A_202, %swap3A_203], %swap3A_206 {strides = array<i32>} : memref<3x200x128xf32, #tpu.memory_space<vmem>>, vector<1x1x16xf32>,
          %scan3A_207 = arith.constant 1 : i32
          %scan3A_208 = arith.addi %scan3A_132, %scan3A_207 : i32
          %mul3A_209 = arith.constant 1 : i32
          %mul3A_210 = arith.muli %scan3A_208, %mul3A_209 : i32
          %add3A_211 = arith.constant 0 : i32
          %add3A_212 = arith.addi %add3A_211, %mul3A_210 : i32
          %get3A_213 = arith.constant 1 : i32
          %get3A_214 = arith.index_cast %get3A_213 : i32 to index
          %get3A_215 = arith.index_cast %add3A_212 : i32 to index
          %get3A_216 = arith.constant 0 : index
          %get3A_217 = tpu.vector_load %arg7[%get3A_214, %get3A_215, %get3A_216] {strides = array<i32>} : memref<3x200x128xf32, #tpu.memory_space<vmem>>, vector<1x1x16xf32>,
          %get3A_218 = vector.shape_cast %get3A_217 : vector<1x1x16xf32> to vector<16xf32>
          %get3A_219 = arith.index_cast %add3A_212 : i32 to index
          %get3A_220 = arith.constant 0 : index
          %get3A_221 = tpu.vector_load %arg8[%get3A_219, %get3A_220] {strides = array<i32>} : memref<200x64xf32, #tpu.memory_space<vmem>>, vector<1x16xf32>,
          %get3A_222 = vector.shape_cast %get3A_221 : vector<1x16xf32> to vector<16xf32>
          %add3A_223 = arith.addf %get3A_218, %get3A_222 : vector<16xf32>
          %swap3A_224 = arith.constant 1 : i32
          %swap3A_225 = arith.index_cast %swap3A_224 : i32 to index
          %swap3A_226 = arith.index_cast %add3A_212 : i32 to index
          %swap3A_227 = arith.constant 0 : index
          %swap3A_228 = tpu.vector_load %arg7[%swap3A_225, %swap3A_226, %swap3A_227] {strides = array<i32>} : memref<3x200x128xf32, #tpu.memory_space<vmem>>, vector<1x1x16xf32>,
          %swap3A_229 = vector.shape_cast %swap3A_228 : vector<1x1x16xf32> to vector<16xf32>
          %swap3A_230 = vector.shape_cast %add3A_223 : vector<16xf32> to vector<1x1x16xf32>
          tpu.vector_store %arg7[%swap3A_225, %swap3A_226, %swap3A_227], %swap3A_230 {strides = array<i32>} : memref<3x200x128xf32, #tpu.memory_space<vmem>>, vector<1x1x16xf32>,
          %get3A_231 = arith.constant 1 : i32
          %get3A_232 = arith.index_cast %get3A_231 : i32 to index
          %get3A_233 = arith.index_cast %add3A_212 : i32 to index
          %get3A_234 = arith.constant 16 : index
          %get3A_235 = tpu.vector_load %arg7[%get3A_232, %get3A_233, %get3A_234] {strides = array<i32>} : memref<3x200x128xf32, #tpu.memory_space<vmem>>, vector<1x1x16xf32>,
          %get3A_236 = vector.shape_cast %get3A_235 : vector<1x1x16xf32> to vector<16xf32>
          %get3A_237 = arith.index_cast %add3A_212 : i32 to index
          %get3A_238 = arith.constant 16 : index
          %get3A_239 = tpu.vector_load %arg8[%get3A_237, %get3A_238] {strides = array<i32>} : memref<200x64xf32, #tpu.memory_space<vmem>>, vector<1x16xf32>,
          %get3A_240 = vector.shape_cast %get3A_239 : vector<1x16xf32> to vector<16xf32>
          %add3A_241 = arith.addf %get3A_236, %get3A_240 : vector<16xf32>
          %swap3A_242 = arith.constant 1 : i32
          %swap3A_243 = arith.index_cast %swap3A_242 : i32 to index
          %swap3A_244 = arith.index_cast %add3A_212 : i32 to index
          %swap3A_245 = arith.constant 16 : index
          %swap3A_246 = tpu.vector_load %arg7[%swap3A_243, %swap3A_244, %swap3A_245] {strides = array<i32>} : memref<3x200x128xf32, #tpu.memory_space<vmem>>, vector<1x1x16xf32>,
          %swap3A_247 = vector.shape_cast %swap3A_246 : vector<1x1x16xf32> to vector<16xf32>
          %swap3A_248 = vector.shape_cast %add3A_241 : vector<16xf32> to vector<1x1x16xf32>
          tpu.vector_store %arg7[%swap3A_243, %swap3A_244, %swap3A_245], %swap3A_248 {strides = array<i32>} : memref<3x200x128xf32, #tpu.memory_space<vmem>>, vector<1x1x16xf32>,
          %get3A_249 = arith.constant 1 : i32
          %get3A_250 = arith.index_cast %get3A_249 : i32 to index
          %get3A_251 = arith.index_cast %add3A_212 : i32 to index
          %get3A_252 = arith.constant 32 : index
          %get3A_253 = tpu.vector_load %arg7[%get3A_250, %get3A_251, %get3A_252] {strides = array<i32>} : memref<3x200x128xf32, #tpu.memory_space<vmem>>, vector<1x1x16xf32>,
          %get3A_254 = vector.shape_cast %get3A_253 : vector<1x1x16xf32> to vector<16xf32>
          %get3A_255 = arith.index_cast %add3A_212 : i32 to index
          %get3A_256 = arith.constant 32 : index
          %get3A_257 = tpu.vector_load %arg8[%get3A_255, %get3A_256] {strides = array<i32>} : memref<200x64xf32, #tpu.memory_space<vmem>>, vector<1x16xf32>,
          %get3A_258 = vector.shape_cast %get3A_257 : vector<1x16xf32> to vector<16xf32>
          %add3A_259 = arith.addf %get3A_254, %get3A_258 : vector<16xf32>
          %swap3A_260 = arith.constant 1 : i32
          %swap3A_261 = arith.index_cast %swap3A_260 : i32 to index
          %swap3A_262 = arith.index_cast %add3A_212 : i32 to index
          %swap3A_263 = arith.constant 32 : index
          %swap3A_264 = tpu.vector_load %arg7[%swap3A_261, %swap3A_262, %swap3A_263] {strides = array<i32>} : memref<3x200x128xf32, #tpu.memory_space<vmem>>, vector<1x1x16xf32>,
          %swap3A_265 = vector.shape_cast %swap3A_264 : vector<1x1x16xf32> to vector<16xf32>
          %swap3A_266 = vector.shape_cast %add3A_259 : vector<16xf32> to vector<1x1x16xf32>
          tpu.vector_store %arg7[%swap3A_261, %swap3A_262, %swap3A_263], %swap3A_266 {strides = array<i32>} : memref<3x200x128xf32, #tpu.memory_space<vmem>>, vector<1x1x16xf32>,
          %get3A_267 = arith.constant 1 : i32
          %get3A_268 = arith.index_cast %get3A_267 : i32 to index
          %get3A_269 = arith.index_cast %add3A_212 : i32 to index
          %get3A_270 = arith.constant 48 : index
          %get3A_271 = tpu.vector_load %arg7[%get3A_268, %get3A_269, %get3A_270] {strides = array<i32>} : memref<3x200x128xf32, #tpu.memory_space<vmem>>, vector<1x1x16xf32>,
          %get3A_272 = vector.shape_cast %get3A_271 : vector<1x1x16xf32> to vector<16xf32>
          %get3A_273 = arith.index_cast %add3A_212 : i32 to index
          %get3A_274 = arith.constant 48 : index
          %get3A_275 = tpu.vector_load %arg8[%get3A_273, %get3A_274] {strides = array<i32>} : memref<200x64xf32, #tpu.memory_space<vmem>>, vector<1x16xf32>,
          %get3A_276 = vector.shape_cast %get3A_275 : vector<1x16xf32> to vector<16xf32>
          %add3A_277 = arith.addf %get3A_272, %get3A_276 : vector<16xf32>
          %swap3A_278 = arith.constant 1 : i32
          %swap3A_279 = arith.index_cast %swap3A_278 : i32 to index
          %swap3A_280 = arith.index_cast %add3A_212 : i32 to index
          %swap3A_281 = arith.constant 48 : index
          %swap3A_282 = tpu.vector_load %arg7[%swap3A_279, %swap3A_280, %swap3A_281] {strides = array<i32>} : memref<3x200x128xf32, #tpu.memory_space<vmem>>, vector<1x1x16xf32>,
          %swap3A_283 = vector.shape_cast %swap3A_282 : vector<1x1x16xf32> to vector<16xf32>
          %swap3A_284 = vector.shape_cast %add3A_277 : vector<16xf32> to vector<1x1x16xf32>
          tpu.vector_store %arg7[%swap3A_279, %swap3A_280, %swap3A_281], %swap3A_284 {strides = array<i32>} : memref<3x200x128xf32, #tpu.memory_space<vmem>>, vector<1x1x16xf32>,
        }
        %scan3A_108 = arith.constant 200 : i32
        %add3A_109 = arith.constant 2 : i32
        %add3A_110 = arith.addi %add3A_80, %add3A_109 : i32
        %lt3A_111 = arith.constant 128 : i32
        %lt3A_112 = arith.cmpi slt, %add3A_110, %lt3A_111 : i32
        %convert_element_type3A_113 = arith.extui %lt3A_112 : i1 to i32
        %cond3A_114 = arith.constant 0 : i32
        %cond3A_115 = arith.cmpi ne, %convert_element_type3A_113, %cond3A_114 : i32
        scf.if %cond3A_115 {
          %ge3A = arith.constant 1 : i32
          %ge3A_132 = arith.cmpi sge, %add3A_80, %ge3A : i32
          %convert_element_type3A_133 = arith.extui %ge3A_132 : i1 to i32
          %cond3A_134 = arith.constant 0 : i32
          %cond3A_135 = arith.cmpi ne, %convert_element_type3A_133, %cond3A_134 : i32
          scf.if %cond3A_135 {
            %dma_wait3A_147 = arith.constant 0 : i32
            %dma_wait3A_148 = arith.constant 0 : i32
            %dma_wait3A_149 = arith.constant 0 : i32
            %dma_wait3A_150 = tpu.memref_slice %arg7[%dma_wait3A_147, %dma_wait3A_148, %dma_wait3A_149] : memref<3x200x128xf32, #tpu.memory_space<vmem>> -> memref<1x200x128xf32, #tpu.memory_space<vmem>>
            %dma_wait3A_151 = tpu.memref_squeeze %dma_wait3A_150 : memref<1x200x128xf32, #tpu.memory_space<vmem>> -> memref<200x128xf32, #tpu.memory_space<vmem>>
            %dma_wait3A_152 = arith.constant 0 : i32
            %dma_wait3A_153 = arith.constant 0 : i32
            %dma_wait3A_154 = tpu.memref_slice %arg5[%dma_wait3A_152, %dma_wait3A_153] : memref<819200x128xf32, #tpu.memory_space<hbm>> -> memref<200x128xf32, #tpu.memory_space<hbm>>
            %dma_wait3A_155 = arith.constant 0 : i32
            %dma_wait3A_156 = arith.constant 0 : i32
            %dma_wait3A_157 = tpu.memref_slice %arg5[%dma_wait3A_155, %dma_wait3A_156] : memref<819200x128xf32, #tpu.memory_space<hbm>> -> memref<200x128xf32, #tpu.memory_space<hbm>>
            %dma_wait3A_158 = arith.constant 0 : i32
            %dma_wait3A_159 = arith.constant 0 : i32
            %dma_wait3A_160 = tpu.memref_slice %arg7[%dma_wait3A_147, %dma_wait3A_158, %dma_wait3A_159] : memref<3x200x128xf32, #tpu.memory_space<vmem>> -> memref<1x200x128xf32, #tpu.memory_space<vmem>>
            %dma_wait3A_161 = tpu.memref_squeeze %dma_wait3A_160 : memref<1x200x128xf32, #tpu.memory_space<vmem>> -> memref<200x128xf32, #tpu.memory_space<vmem>>
            tpu.wait_dma2 semaphore(%arg12 : memref<!tpu.dma_semaphore, #tpu.memory_space<semaphore_mem>>) src(%dma_wait3A_161 : memref<200x128xf32, #tpu.memory_space<vmem>>) dst(%dma_wait3A_157 : memref<200x128xf32, #tpu.memory_space<hbm>>)
          } else {
          }
          %mul3A_136 = arith.constant 200 : i32
          %mul3A_137 = arith.muli %add3A_110, %mul3A_136 : i32
          %dma_start3A_138 = arith.constant 0 : i32
          %dma_start3A_139 = arith.constant 0 : i32
          %dma_start3A_140 = arith.constant 0 : i32
          %dma_start3A_141 = tpu.memref_slice %arg7[%dma_start3A_138, %dma_start3A_139, %dma_start3A_140] : memref<3x200x128xf32, #tpu.memory_space<vmem>> -> memref<1x200x128xf32, #tpu.memory_space<vmem>>
          %dma_start3A_142 = tpu.memref_squeeze %dma_start3A_141 : memref<1x200x128xf32, #tpu.memory_space<vmem>> -> memref<200x128xf32, #tpu.memory_space<vmem>>
          %dma_start3A_143 = tpu.memref_slice %arg6[%mul3A_137] : memref<25600xi32, #tpu.memory_space<vmem>> -> memref<200xi32, #tpu.memory_space<vmem>>
          %dma_start3A_144 = arith.constant 0 : i32
          %dma_start3A_145 = arith.constant 0 : i32
          %dma_start3A_146 = tpu.memref_slice %arg3[%dma_start3A_144, %dma_start3A_145] : memref<1000000x128xf32, #tpu.memory_space<hbm>> -> memref<1000000x128xf32, #tpu.memory_space<hbm>>
          tpu.enqueue_indirect_dma source(%dma_start3A_146 : memref<1000000x128xf32, #tpu.memory_space<hbm>>) target(%dma_start3A_142 : memref<200x128xf32, #tpu.memory_space<vmem>>) offsets(%dma_start3A_143 : memref<200xi32, #tpu.memory_space<vmem>>) semaphore(%arg9 : memref<!tpu.dma_semaphore, #tpu.memory_space<semaphore_mem>>)
        } else {
        }
        %mul3A_116 = arith.constant 200 : i32
        %mul3A_117 = arith.muli %add3A_80, %mul3A_116 : i32
        %add3A_118 = arith.addi %mul3A_2, %mul3A_117 : i32
        %dma_start3A_119 = arith.constant 1 : i32
        %dma_start3A_120 = arith.constant 0 : i32
        %dma_start3A_121 = arith.constant 0 : i32
        %dma_start3A_122 = tpu.memref_slice %arg7[%dma_start3A_119, %dma_start3A_120, %dma_start3A_121] : memref<3x200x128xf32, #tpu.memory_space<vmem>> -> memref<1x200x128xf32, #tpu.memory_space<vmem>>
        %dma_start3A_123 = tpu.memref_squeeze %dma_start3A_122 : memref<1x200x128xf32, #tpu.memory_space<vmem>> -> memref<200x128xf32, #tpu.memory_space<vmem>>
        %dma_start3A_124 = arith.constant 0 : i32
        %dma_start3A_125 = tpu.memref_slice %arg5[%add3A_118, %dma_start3A_124] : memref<819200x128xf32, #tpu.memory_space<hbm>> -> memref<200x128xf32, #tpu.memory_space<hbm>>
        %dma_start3A_126 = arith.constant 0 : i32
        %dma_start3A_127 = tpu.memref_slice %arg5[%add3A_118, %dma_start3A_126] : memref<819200x128xf32, #tpu.memory_space<hbm>> -> memref<200x128xf32, #tpu.memory_space<hbm>>
        %dma_start3A_128 = arith.constant 0 : i32
        %dma_start3A_129 = arith.constant 0 : i32
        %dma_start3A_130 = tpu.memref_slice %arg7[%dma_start3A_119, %dma_start3A_128, %dma_start3A_129] : memref<3x200x128xf32, #tpu.memory_space<vmem>> -> memref<1x200x128xf32, #tpu.memory_space<vmem>>
        %dma_start3A_131 = tpu.memref_squeeze %dma_start3A_130 : memref<1x200x128xf32, #tpu.memory_space<vmem>> -> memref<200x128xf32, #tpu.memory_space<vmem>>
        tpu.enqueue_dma source(%dma_start3A_131 : memref<200x128xf32, #tpu.memory_space<vmem>>) target(%dma_start3A_127 : memref<200x128xf32, #tpu.memory_space<hbm>>) target_semaphore(%arg13 : memref<!tpu.dma_semaphore, #tpu.memory_space<semaphore_mem>>)
      } else {
      }
      %add3A_86 = arith.constant 2 : i32
      %add3A_87 = arith.addi %add3A_74, %add3A_86 : i32
      %lt3A_88 = arith.constant 128 : i32
      %lt3A_89 = arith.cmpi slt, %add3A_87, %lt3A_88 : i32
      %convert_element_type3A_90 = arith.extui %lt3A_89 : i1 to i32
      %cond3A_91 = arith.constant 0 : i32
      %cond3A_92 = arith.cmpi ne, %convert_element_type3A_90, %cond3A_91 : i32
      scf.if %cond3A_92 {
        %mul3A_93 = arith.constant 200 : i32
        %mul3A_94 = arith.muli %add3A_87, %mul3A_93 : i32
        %dma_wait3A_95 = arith.constant 2 : i32
        %dma_wait3A_96 = arith.constant 0 : i32
        %dma_wait3A_97 = arith.constant 0 : i32
        %dma_wait3A_98 = tpu.memref_slice %arg7[%dma_wait3A_95, %dma_wait3A_96, %dma_wait3A_97] : memref<3x200x128xf32, #tpu.memory_space<vmem>> -> memref<1x200x128xf32, #tpu.memory_space<vmem>>
        %dma_wait3A_99 = tpu.memref_squeeze %dma_wait3A_98 : memref<1x200x128xf32, #tpu.memory_space<vmem>> -> memref<200x128xf32, #tpu.memory_space<vmem>>
        %dma_wait3A_100 = tpu.memref_slice %arg6[%mul3A_94] : memref<25600xi32, #tpu.memory_space<vmem>> -> memref<200xi32, #tpu.memory_space<vmem>>
        %dma_wait3A_101 = arith.constant 0 : i32
        %dma_wait3A_102 = arith.constant 0 : i32
        %dma_wait3A_103 = tpu.memref_slice %arg3[%dma_wait3A_101, %dma_wait3A_102] : memref<1000000x128xf32, #tpu.memory_space<hbm>> -> memref<1000000x128xf32, #tpu.memory_space<hbm>>
        tpu.wait_indirect_dma semaphore(%arg11 : memref<!tpu.dma_semaphore, #tpu.memory_space<semaphore_mem>>) src(%dma_wait3A_103 : memref<1000000x128xf32, #tpu.memory_space<hbm>>) dst(%dma_wait3A_99 : memref<200x128xf32, #tpu.memory_space<vmem>>)
        %scan3A_104 = arith.constant 0 : i32
        %scan3A_105 = arith.constant 200 : i32
        %scan3A_106 = arith.addi %scan3A_104, %scan3A_105 : i32
        %scan3A_107 = arith.constant 2 : i32
        scf.for %scan3A_132 = %scan3A_104 to %scan3A_106 step %scan3A_107  : i32 {
          %mul3A_133 = arith.constant 1 : i32
          %mul3A_134 = arith.muli %scan3A_132, %mul3A_133 : i32
          %add3A_135 = arith.constant 0 : i32
          %add3A_136 = arith.addi %add3A_135, %mul3A_134 : i32
          %get3A = arith.constant 2 : i32
          %get3A_137 = arith.index_cast %get3A : i32 to index
          %get3A_138 = arith.index_cast %add3A_136 : i32 to index
          %get3A_139 = arith.constant 0 : index
          %get3A_140 = tpu.vector_load %arg7[%get3A_137, %get3A_138, %get3A_139] {strides = array<i32>} : memref<3x200x128xf32, #tpu.memory_space<vmem>>, vector<1x1x16xf32>,
          %get3A_141 = vector.shape_cast %get3A_140 : vector<1x1x16xf32> to vector<16xf32>
          %get3A_142 = arith.index_cast %add3A_136 : i32 to index
          %get3A_143 = arith.constant 0 : index
          %get3A_144 = tpu.vector_load %arg8[%get3A_142, %get3A_143] {strides = array<i32>} : memref<200x64xf32, #tpu.memory_space<vmem>>, vector<1x16xf32>,
          %get3A_145 = vector.shape_cast %get3A_144 : vector<1x16xf32> to vector<16xf32>
          %add3A_146 = arith.addf %get3A_141, %get3A_145 : vector<16xf32>
          %swap3A = arith.constant 2 : i32
          %swap3A_147 = arith.index_cast %swap3A : i32 to index
          %swap3A_148 = arith.index_cast %add3A_136 : i32 to index
          %swap3A_149 = arith.constant 0 : index
          %swap3A_150 = tpu.vector_load %arg7[%swap3A_147, %swap3A_148, %swap3A_149] {strides = array<i32>} : memref<3x200x128xf32, #tpu.memory_space<vmem>>, vector<1x1x16xf32>,
          %swap3A_151 = vector.shape_cast %swap3A_150 : vector<1x1x16xf32> to vector<16xf32>
          %swap3A_152 = vector.shape_cast %add3A_146 : vector<16xf32> to vector<1x1x16xf32>
          tpu.vector_store %arg7[%swap3A_147, %swap3A_148, %swap3A_149], %swap3A_152 {strides = array<i32>} : memref<3x200x128xf32, #tpu.memory_space<vmem>>, vector<1x1x16xf32>,
          %get3A_153 = arith.constant 2 : i32
          %get3A_154 = arith.index_cast %get3A_153 : i32 to index
          %get3A_155 = arith.index_cast %add3A_136 : i32 to index
          %get3A_156 = arith.constant 16 : index
          %get3A_157 = tpu.vector_load %arg7[%get3A_154, %get3A_155, %get3A_156] {strides = array<i32>} : memref<3x200x128xf32, #tpu.memory_space<vmem>>, vector<1x1x16xf32>,
          %get3A_158 = vector.shape_cast %get3A_157 : vector<1x1x16xf32> to vector<16xf32>
          %get3A_159 = arith.index_cast %add3A_136 : i32 to index
          %get3A_160 = arith.constant 16 : index
          %get3A_161 = tpu.vector_load %arg8[%get3A_159, %get3A_160] {strides = array<i32>} : memref<200x64xf32, #tpu.memory_space<vmem>>, vector<1x16xf32>,
          %get3A_162 = vector.shape_cast %get3A_161 : vector<1x16xf32> to vector<16xf32>
          %add3A_163 = arith.addf %get3A_158, %get3A_162 : vector<16xf32>
          %swap3A_164 = arith.constant 2 : i32
          %swap3A_165 = arith.index_cast %swap3A_164 : i32 to index
          %swap3A_166 = arith.index_cast %add3A_136 : i32 to index
          %swap3A_167 = arith.constant 16 : index
          %swap3A_168 = tpu.vector_load %arg7[%swap3A_165, %swap3A_166, %swap3A_167] {strides = array<i32>} : memref<3x200x128xf32, #tpu.memory_space<vmem>>, vector<1x1x16xf32>,
          %swap3A_169 = vector.shape_cast %swap3A_168 : vector<1x1x16xf32> to vector<16xf32>
          %swap3A_170 = vector.shape_cast %add3A_163 : vector<16xf32> to vector<1x1x16xf32>
          tpu.vector_store %arg7[%swap3A_165, %swap3A_166, %swap3A_167], %swap3A_170 {strides = array<i32>} : memref<3x200x128xf32, #tpu.memory_space<vmem>>, vector<1x1x16xf32>,
          %get3A_171 = arith.constant 2 : i32
          %get3A_172 = arith.index_cast %get3A_171 : i32 to index
          %get3A_173 = arith.index_cast %add3A_136 : i32 to index
          %get3A_174 = arith.constant 32 : index
          %get3A_175 = tpu.vector_load %arg7[%get3A_172, %get3A_173, %get3A_174] {strides = array<i32>} : memref<3x200x128xf32, #tpu.memory_space<vmem>>, vector<1x1x16xf32>,
          %get3A_176 = vector.shape_cast %get3A_175 : vector<1x1x16xf32> to vector<16xf32>
          %get3A_177 = arith.index_cast %add3A_136 : i32 to index
          %get3A_178 = arith.constant 32 : index
          %get3A_179 = tpu.vector_load %arg8[%get3A_177, %get3A_178] {strides = array<i32>} : memref<200x64xf32, #tpu.memory_space<vmem>>, vector<1x16xf32>,
          %get3A_180 = vector.shape_cast %get3A_179 : vector<1x16xf32> to vector<16xf32>
          %add3A_181 = arith.addf %get3A_176, %get3A_180 : vector<16xf32>
          %swap3A_182 = arith.constant 2 : i32
          %swap3A_183 = arith.index_cast %swap3A_182 : i32 to index
          %swap3A_184 = arith.index_cast %add3A_136 : i32 to index
          %swap3A_185 = arith.constant 32 : index
          %swap3A_186 = tpu.vector_load %arg7[%swap3A_183, %swap3A_184, %swap3A_185] {strides = array<i32>} : memref<3x200x128xf32, #tpu.memory_space<vmem>>, vector<1x1x16xf32>,
          %swap3A_187 = vector.shape_cast %swap3A_186 : vector<1x1x16xf32> to vector<16xf32>
          %swap3A_188 = vector.shape_cast %add3A_181 : vector<16xf32> to vector<1x1x16xf32>
          tpu.vector_store %arg7[%swap3A_183, %swap3A_184, %swap3A_185], %swap3A_188 {strides = array<i32>} : memref<3x200x128xf32, #tpu.memory_space<vmem>>, vector<1x1x16xf32>,
          %get3A_189 = arith.constant 2 : i32
          %get3A_190 = arith.index_cast %get3A_189 : i32 to index
          %get3A_191 = arith.index_cast %add3A_136 : i32 to index
          %get3A_192 = arith.constant 48 : index
          %get3A_193 = tpu.vector_load %arg7[%get3A_190, %get3A_191, %get3A_192] {strides = array<i32>} : memref<3x200x128xf32, #tpu.memory_space<vmem>>, vector<1x1x16xf32>,
          %get3A_194 = vector.shape_cast %get3A_193 : vector<1x1x16xf32> to vector<16xf32>
          %get3A_195 = arith.index_cast %add3A_136 : i32 to index
          %get3A_196 = arith.constant 48 : index
          %get3A_197 = tpu.vector_load %arg8[%get3A_195, %get3A_196] {strides = array<i32>} : memref<200x64xf32, #tpu.memory_space<vmem>>, vector<1x16xf32>,
          %get3A_198 = vector.shape_cast %get3A_197 : vector<1x16xf32> to vector<16xf32>
          %add3A_199 = arith.addf %get3A_194, %get3A_198 : vector<16xf32>
          %swap3A_200 = arith.constant 2 : i32
          %swap3A_201 = arith.index_cast %swap3A_200 : i32 to index
          %swap3A_202 = arith.index_cast %add3A_136 : i32 to index
          %swap3A_203 = arith.constant 48 : index
          %swap3A_204 = tpu.vector_load %arg7[%swap3A_201, %swap3A_202, %swap3A_203] {strides = array<i32>} : memref<3x200x128xf32, #tpu.memory_space<vmem>>, vector<1x1x16xf32>,
          %swap3A_205 = vector.shape_cast %swap3A_204 : vector<1x1x16xf32> to vector<16xf32>
          %swap3A_206 = vector.shape_cast %add3A_199 : vector<16xf32> to vector<1x1x16xf32>
          tpu.vector_store %arg7[%swap3A_201, %swap3A_202, %swap3A_203], %swap3A_206 {strides = array<i32>} : memref<3x200x128xf32, #tpu.memory_space<vmem>>, vector<1x1x16xf32>,
          %scan3A_207 = arith.constant 1 : i32
          %scan3A_208 = arith.addi %scan3A_132, %scan3A_207 : i32
          %mul3A_209 = arith.constant 1 : i32
          %mul3A_210 = arith.muli %scan3A_208, %mul3A_209 : i32
          %add3A_211 = arith.constant 0 : i32
          %add3A_212 = arith.addi %add3A_211, %mul3A_210 : i32
          %get3A_213 = arith.constant 2 : i32
          %get3A_214 = arith.index_cast %get3A_213 : i32 to index
          %get3A_215 = arith.index_cast %add3A_212 : i32 to index
          %get3A_216 = arith.constant 0 : index
          %get3A_217 = tpu.vector_load %arg7[%get3A_214, %get3A_215, %get3A_216] {strides = array<i32>} : memref<3x200x128xf32, #tpu.memory_space<vmem>>, vector<1x1x16xf32>,
          %get3A_218 = vector.shape_cast %get3A_217 : vector<1x1x16xf32> to vector<16xf32>
          %get3A_219 = arith.index_cast %add3A_212 : i32 to index
          %get3A_220 = arith.constant 0 : index
          %get3A_221 = tpu.vector_load %arg8[%get3A_219, %get3A_220] {strides = array<i32>} : memref<200x64xf32, #tpu.memory_space<vmem>>, vector<1x16xf32>,
          %get3A_222 = vector.shape_cast %get3A_221 : vector<1x16xf32> to vector<16xf32>
          %add3A_223 = arith.addf %get3A_218, %get3A_222 : vector<16xf32>
          %swap3A_224 = arith.constant 2 : i32
          %swap3A_225 = arith.index_cast %swap3A_224 : i32 to index
          %swap3A_226 = arith.index_cast %add3A_212 : i32 to index
          %swap3A_227 = arith.constant 0 : index
          %swap3A_228 = tpu.vector_load %arg7[%swap3A_225, %swap3A_226, %swap3A_227] {strides = array<i32>} : memref<3x200x128xf32, #tpu.memory_space<vmem>>, vector<1x1x16xf32>,
          %swap3A_229 = vector.shape_cast %swap3A_228 : vector<1x1x16xf32> to vector<16xf32>
          %swap3A_230 = vector.shape_cast %add3A_223 : vector<16xf32> to vector<1x1x16xf32>
          tpu.vector_store %arg7[%swap3A_225, %swap3A_226, %swap3A_227], %swap3A_230 {strides = array<i32>} : memref<3x200x128xf32, #tpu.memory_space<vmem>>, vector<1x1x16xf32>,
          %get3A_231 = arith.constant 2 : i32
          %get3A_232 = arith.index_cast %get3A_231 : i32 to index
          %get3A_233 = arith.index_cast %add3A_212 : i32 to index
          %get3A_234 = arith.constant 16 : index
          %get3A_235 = tpu.vector_load %arg7[%get3A_232, %get3A_233, %get3A_234] {strides = array<i32>} : memref<3x200x128xf32, #tpu.memory_space<vmem>>, vector<1x1x16xf32>,
          %get3A_236 = vector.shape_cast %get3A_235 : vector<1x1x16xf32> to vector<16xf32>
          %get3A_237 = arith.index_cast %add3A_212 : i32 to index
          %get3A_238 = arith.constant 16 : index
          %get3A_239 = tpu.vector_load %arg8[%get3A_237, %get3A_238] {strides = array<i32>} : memref<200x64xf32, #tpu.memory_space<vmem>>, vector<1x16xf32>,
          %get3A_240 = vector.shape_cast %get3A_239 : vector<1x16xf32> to vector<16xf32>
          %add3A_241 = arith.addf %get3A_236, %get3A_240 : vector<16xf32>
          %swap3A_242 = arith.constant 2 : i32
          %swap3A_243 = arith.index_cast %swap3A_242 : i32 to index
          %swap3A_244 = arith.index_cast %add3A_212 : i32 to index
          %swap3A_245 = arith.constant 16 : index
          %swap3A_246 = tpu.vector_load %arg7[%swap3A_243, %swap3A_244, %swap3A_245] {strides = array<i32>} : memref<3x200x128xf32, #tpu.memory_space<vmem>>, vector<1x1x16xf32>,
          %swap3A_247 = vector.shape_cast %swap3A_246 : vector<1x1x16xf32> to vector<16xf32>
          %swap3A_248 = vector.shape_cast %add3A_241 : vector<16xf32> to vector<1x1x16xf32>
          tpu.vector_store %arg7[%swap3A_243, %swap3A_244, %swap3A_245], %swap3A_248 {strides = array<i32>} : memref<3x200x128xf32, #tpu.memory_space<vmem>>, vector<1x1x16xf32>,
          %get3A_249 = arith.constant 2 : i32
          %get3A_250 = arith.index_cast %get3A_249 : i32 to index
          %get3A_251 = arith.index_cast %add3A_212 : i32 to index
          %get3A_252 = arith.constant 32 : index
          %get3A_253 = tpu.vector_load %arg7[%get3A_250, %get3A_251, %get3A_252] {strides = array<i32>} : memref<3x200x128xf32, #tpu.memory_space<vmem>>, vector<1x1x16xf32>,
          %get3A_254 = vector.shape_cast %get3A_253 : vector<1x1x16xf32> to vector<16xf32>
          %get3A_255 = arith.index_cast %add3A_212 : i32 to index
          %get3A_256 = arith.constant 32 : index
          %get3A_257 = tpu.vector_load %arg8[%get3A_255, %get3A_256] {strides = array<i32>} : memref<200x64xf32, #tpu.memory_space<vmem>>, vector<1x16xf32>,
          %get3A_258 = vector.shape_cast %get3A_257 : vector<1x16xf32> to vector<16xf32>
          %add3A_259 = arith.addf %get3A_254, %get3A_258 : vector<16xf32>
          %swap3A_260 = arith.constant 2 : i32
          %swap3A_261 = arith.index_cast %swap3A_260 : i32 to index
          %swap3A_262 = arith.index_cast %add3A_212 : i32 to index
          %swap3A_263 = arith.constant 32 : index
          %swap3A_264 = tpu.vector_load %arg7[%swap3A_261, %swap3A_262, %swap3A_263] {strides = array<i32>} : memref<3x200x128xf32, #tpu.memory_space<vmem>>, vector<1x1x16xf32>,
          %swap3A_265 = vector.shape_cast %swap3A_264 : vector<1x1x16xf32> to vector<16xf32>
          %swap3A_266 = vector.shape_cast %add3A_259 : vector<16xf32> to vector<1x1x16xf32>
          tpu.vector_store %arg7[%swap3A_261, %swap3A_262, %swap3A_263], %swap3A_266 {strides = array<i32>} : memref<3x200x128xf32, #tpu.memory_space<vmem>>, vector<1x1x16xf32>,
          %get3A_267 = arith.constant 2 : i32
          %get3A_268 = arith.index_cast %get3A_267 : i32 to index
          %get3A_269 = arith.index_cast %add3A_212 : i32 to index
          %get3A_270 = arith.constant 48 : index
          %get3A_271 = tpu.vector_load %arg7[%get3A_268, %get3A_269, %get3A_270] {strides = array<i32>} : memref<3x200x128xf32, #tpu.memory_space<vmem>>, vector<1x1x16xf32>,
          %get3A_272 = vector.shape_cast %get3A_271 : vector<1x1x16xf32> to vector<16xf32>
          %get3A_273 = arith.index_cast %add3A_212 : i32 to index
          %get3A_274 = arith.constant 48 : index
          %get3A_275 = tpu.vector_load %arg8[%get3A_273, %get3A_274] {strides = array<i32>} : memref<200x64xf32, #tpu.memory_space<vmem>>, vector<1x16xf32>,
          %get3A_276 = vector.shape_cast %get3A_275 : vector<1x16xf32> to vector<16xf32>
          %add3A_277 = arith.addf %get3A_272, %get3A_276 : vector<16xf32>
          %swap3A_278 = arith.constant 2 : i32
          %swap3A_279 = arith.index_cast %swap3A_278 : i32 to index
          %swap3A_280 = arith.index_cast %add3A_212 : i32 to index
          %swap3A_281 = arith.constant 48 : index
          %swap3A_282 = tpu.vector_load %arg7[%swap3A_279, %swap3A_280, %swap3A_281] {strides = array<i32>} : memref<3x200x128xf32, #tpu.memory_space<vmem>>, vector<1x1x16xf32>,
          %swap3A_283 = vector.shape_cast %swap3A_282 : vector<1x1x16xf32> to vector<16xf32>
          %swap3A_284 = vector.shape_cast %add3A_277 : vector<16xf32> to vector<1x1x16xf32>
          tpu.vector_store %arg7[%swap3A_279, %swap3A_280, %swap3A_281], %swap3A_284 {strides = array<i32>} : memref<3x200x128xf32, #tpu.memory_space<vmem>>, vector<1x1x16xf32>,
        }
        %scan3A_108 = arith.constant 200 : i32
        %add3A_109 = arith.constant 2 : i32
        %add3A_110 = arith.addi %add3A_87, %add3A_109 : i32
        %lt3A_111 = arith.constant 128 : i32
        %lt3A_112 = arith.cmpi slt, %add3A_110, %lt3A_111 : i32
        %convert_element_type3A_113 = arith.extui %lt3A_112 : i1 to i32
        %cond3A_114 = arith.constant 0 : i32
        %cond3A_115 = arith.cmpi ne, %convert_element_type3A_113, %cond3A_114 : i32
        scf.if %cond3A_115 {
          %ge3A = arith.constant 1 : i32
          %ge3A_132 = arith.cmpi sge, %add3A_87, %ge3A : i32
          %convert_element_type3A_133 = arith.extui %ge3A_132 : i1 to i32
          %cond3A_134 = arith.constant 0 : i32
          %cond3A_135 = arith.cmpi ne, %convert_element_type3A_133, %cond3A_134 : i32
          scf.if %cond3A_135 {
            %dma_wait3A_147 = arith.constant 1 : i32
            %dma_wait3A_148 = arith.constant 0 : i32
            %dma_wait3A_149 = arith.constant 0 : i32
            %dma_wait3A_150 = tpu.memref_slice %arg7[%dma_wait3A_147, %dma_wait3A_148, %dma_wait3A_149] : memref<3x200x128xf32, #tpu.memory_space<vmem>> -> memref<1x200x128xf32, #tpu.memory_space<vmem>>
            %dma_wait3A_151 = tpu.memref_squeeze %dma_wait3A_150 : memref<1x200x128xf32, #tpu.memory_space<vmem>> -> memref<200x128xf32, #tpu.memory_space<vmem>>
            %dma_wait3A_152 = arith.constant 0 : i32
            %dma_wait3A_153 = arith.constant 0 : i32
            %dma_wait3A_154 = tpu.memref_slice %arg5[%dma_wait3A_152, %dma_wait3A_153] : memref<819200x128xf32, #tpu.memory_space<hbm>> -> memref<200x128xf32, #tpu.memory_space<hbm>>
            %dma_wait3A_155 = arith.constant 0 : i32
            %dma_wait3A_156 = arith.constant 0 : i32
            %dma_wait3A_157 = tpu.memref_slice %arg5[%dma_wait3A_155, %dma_wait3A_156] : memref<819200x128xf32, #tpu.memory_space<hbm>> -> memref<200x128xf32, #tpu.memory_space<hbm>>
            %dma_wait3A_158 = arith.constant 0 : i32
            %dma_wait3A_159 = arith.constant 0 : i32
            %dma_wait3A_160 = tpu.memref_slice %arg7[%dma_wait3A_147, %dma_wait3A_158, %dma_wait3A_159] : memref<3x200x128xf32, #tpu.memory_space<vmem>> -> memref<1x200x128xf32, #tpu.memory_space<vmem>>
            %dma_wait3A_161 = tpu.memref_squeeze %dma_wait3A_160 : memref<1x200x128xf32, #tpu.memory_space<vmem>> -> memref<200x128xf32, #tpu.memory_space<vmem>>
            tpu.wait_dma2 semaphore(%arg13 : memref<!tpu.dma_semaphore, #tpu.memory_space<semaphore_mem>>) src(%dma_wait3A_161 : memref<200x128xf32, #tpu.memory_space<vmem>>) dst(%dma_wait3A_157 : memref<200x128xf32, #tpu.memory_space<hbm>>)
          } else {
          }
          %mul3A_136 = arith.constant 200 : i32
          %mul3A_137 = arith.muli %add3A_110, %mul3A_136 : i32
          %dma_start3A_138 = arith.constant 1 : i32
          %dma_start3A_139 = arith.constant 0 : i32
          %dma_start3A_140 = arith.constant 0 : i32
          %dma_start3A_141 = tpu.memref_slice %arg7[%dma_start3A_138, %dma_start3A_139, %dma_start3A_140] : memref<3x200x128xf32, #tpu.memory_space<vmem>> -> memref<1x200x128xf32, #tpu.memory_space<vmem>>
          %dma_start3A_142 = tpu.memref_squeeze %dma_start3A_141 : memref<1x200x128xf32, #tpu.memory_space<vmem>> -> memref<200x128xf32, #tpu.memory_space<vmem>>
          %dma_start3A_143 = tpu.memref_slice %arg6[%mul3A_137] : memref<25600xi32, #tpu.memory_space<vmem>> -> memref<200xi32, #tpu.memory_space<vmem>>
          %dma_start3A_144 = arith.constant 0 : i32
          %dma_start3A_145 = arith.constant 0 : i32
          %dma_start3A_146 = tpu.memref_slice %arg3[%dma_start3A_144, %dma_start3A_145] : memref<1000000x128xf32, #tpu.memory_space<hbm>> -> memref<1000000x128xf32, #tpu.memory_space<hbm>>
          tpu.enqueue_indirect_dma source(%dma_start3A_146 : memref<1000000x128xf32, #tpu.memory_space<hbm>>) target(%dma_start3A_142 : memref<200x128xf32, #tpu.memory_space<vmem>>) offsets(%dma_start3A_143 : memref<200xi32, #tpu.memory_space<vmem>>) semaphore(%arg10 : memref<!tpu.dma_semaphore, #tpu.memory_space<semaphore_mem>>)
        } else {
        }
        %mul3A_116 = arith.constant 200 : i32
        %mul3A_117 = arith.muli %add3A_87, %mul3A_116 : i32
        %add3A_118 = arith.addi %mul3A_2, %mul3A_117 : i32
        %dma_start3A_119 = arith.constant 2 : i32
        %dma_start3A_120 = arith.constant 0 : i32
        %dma_start3A_121 = arith.constant 0 : i32
        %dma_start3A_122 = tpu.memref_slice %arg7[%dma_start3A_119, %dma_start3A_120, %dma_start3A_121] : memref<3x200x128xf32, #tpu.memory_space<vmem>> -> memref<1x200x128xf32, #tpu.memory_space<vmem>>
        %dma_start3A_123 = tpu.memref_squeeze %dma_start3A_122 : memref<1x200x128xf32, #tpu.memory_space<vmem>> -> memref<200x128xf32, #tpu.memory_space<vmem>>
        %dma_start3A_124 = arith.constant 0 : i32
        %dma_start3A_125 = tpu.memref_slice %arg5[%add3A_118, %dma_start3A_124] : memref<819200x128xf32, #tpu.memory_space<hbm>> -> memref<200x128xf32, #tpu.memory_space<hbm>>
        %dma_start3A_126 = arith.constant 0 : i32
        %dma_start3A_127 = tpu.memref_slice %arg5[%add3A_118, %dma_start3A_126] : memref<819200x128xf32, #tpu.memory_space<hbm>> -> memref<200x128xf32, #tpu.memory_space<hbm>>
        %dma_start3A_128 = arith.constant 0 : i32
        %dma_start3A_129 = arith.constant 0 : i32
        %dma_start3A_130 = tpu.memref_slice %arg7[%dma_start3A_119, %dma_start3A_128, %dma_start3A_129] : memref<3x200x128xf32, #tpu.memory_space<vmem>> -> memref<1x200x128xf32, #tpu.memory_space<vmem>>
        %dma_start3A_131 = tpu.memref_squeeze %dma_start3A_130 : memref<1x200x128xf32, #tpu.memory_space<vmem>> -> memref<200x128xf32, #tpu.memory_space<vmem>>
        tpu.enqueue_dma source(%dma_start3A_131 : memref<200x128xf32, #tpu.memory_space<vmem>>) target(%dma_start3A_127 : memref<200x128xf32, #tpu.memory_space<hbm>>) target_semaphore(%arg14 : memref<!tpu.dma_semaphore, #tpu.memory_space<semaphore_mem>>)
      } else {
      }
    }
    %scan3A_25 = arith.constant 43 : i32
    %dma_wait3A = arith.constant 0 : i32
    %dma_wait3A_26 = arith.constant 0 : i32
    %dma_wait3A_27 = arith.constant 0 : i32
    %dma_wait3A_28 = tpu.memref_slice %arg7[%dma_wait3A, %dma_wait3A_26, %dma_wait3A_27] : memref<3x200x128xf32, #tpu.memory_space<vmem>> -> memref<1x200x128xf32, #tpu.memory_space<vmem>>
    %dma_wait3A_29 = tpu.memref_squeeze %dma_wait3A_28 : memref<1x200x128xf32, #tpu.memory_space<vmem>> -> memref<200x128xf32, #tpu.memory_space<vmem>>
    %dma_wait3A_30 = arith.constant 0 : i32
    %dma_wait3A_31 = arith.constant 0 : i32
    %dma_wait3A_32 = tpu.memref_slice %arg5[%dma_wait3A_30, %dma_wait3A_31] : memref<819200x128xf32, #tpu.memory_space<hbm>> -> memref<200x128xf32, #tpu.memory_space<hbm>>
    %dma_wait3A_33 = arith.constant 0 : i32
    %dma_wait3A_34 = arith.constant 0 : i32
    %dma_wait3A_35 = tpu.memref_slice %arg5[%dma_wait3A_33, %dma_wait3A_34] : memref<819200x128xf32, #tpu.memory_space<hbm>> -> memref<200x128xf32, #tpu.memory_space<hbm>>
    %dma_wait3A_36 = arith.constant 0 : i32
    %dma_wait3A_37 = arith.constant 0 : i32
    %dma_wait3A_38 = tpu.memref_slice %arg7[%dma_wait3A, %dma_wait3A_36, %dma_wait3A_37] : memref<3x200x128xf32, #tpu.memory_space<vmem>> -> memref<1x200x128xf32, #tpu.memory_space<vmem>>
    %dma_wait3A_39 = tpu.memref_squeeze %dma_wait3A_38 : memref<1x200x128xf32, #tpu.memory_space<vmem>> -> memref<200x128xf32, #tpu.memory_space<vmem>>
    tpu.wait_dma2 semaphore(%arg12 : memref<!tpu.dma_semaphore, #tpu.memory_space<semaphore_mem>>) src(%dma_wait3A_39 : memref<200x128xf32, #tpu.memory_space<vmem>>) dst(%dma_wait3A_35 : memref<200x128xf32, #tpu.memory_space<hbm>>)
    %dma_wait3A_40 = arith.constant 1 : i32
    %dma_wait3A_41 = arith.constant 0 : i32
    %dma_wait3A_42 = arith.constant 0 : i32
    %dma_wait3A_43 = tpu.memref_slice %arg7[%dma_wait3A_40, %dma_wait3A_41, %dma_wait3A_42] : memref<3x200x128xf32, #tpu.memory_space<vmem>> -> memref<1x200x128xf32, #tpu.memory_space<vmem>>
    %dma_wait3A_44 = tpu.memref_squeeze %dma_wait3A_43 : memref<1x200x128xf32, #tpu.memory_space<vmem>> -> memref<200x128xf32, #tpu.memory_space<vmem>>
    %dma_wait3A_45 = arith.constant 0 : i32
    %dma_wait3A_46 = arith.constant 0 : i32
    %dma_wait3A_47 = tpu.memref_slice %arg5[%dma_wait3A_45, %dma_wait3A_46] : memref<819200x128xf32, #tpu.memory_space<hbm>> -> memref<200x128xf32, #tpu.memory_space<hbm>>
    %dma_wait3A_48 = arith.constant 0 : i32
    %dma_wait3A_49 = arith.constant 0 : i32
    %dma_wait3A_50 = tpu.memref_slice %arg5[%dma_wait3A_48, %dma_wait3A_49] : memref<819200x128xf32, #tpu.memory_space<hbm>> -> memref<200x128xf32, #tpu.memory_space<hbm>>
    %dma_wait3A_51 = arith.constant 0 : i32
    %dma_wait3A_52 = arith.constant 0 : i32
    %dma_wait3A_53 = tpu.memref_slice %arg7[%dma_wait3A_40, %dma_wait3A_51, %dma_wait3A_52] : memref<3x200x128xf32, #tpu.memory_space<vmem>> -> memref<1x200x128xf32, #tpu.memory_space<vmem>>
    %dma_wait3A_54 = tpu.memref_squeeze %dma_wait3A_53 : memref<1x200x128xf32, #tpu.memory_space<vmem>> -> memref<200x128xf32, #tpu.memory_space<vmem>>
    tpu.wait_dma2 semaphore(%arg13 : memref<!tpu.dma_semaphore, #tpu.memory_space<semaphore_mem>>) src(%dma_wait3A_54 : memref<200x128xf32, #tpu.memory_space<vmem>>) dst(%dma_wait3A_50 : memref<200x128xf32, #tpu.memory_space<hbm>>)
    %dma_wait3A_55 = arith.constant 2 : i32
    %dma_wait3A_56 = arith.constant 0 : i32
    %dma_wait3A_57 = arith.constant 0 : i32
    %dma_wait3A_58 = tpu.memref_slice %arg7[%dma_wait3A_55, %dma_wait3A_56, %dma_wait3A_57] : memref<3x200x128xf32, #tpu.memory_space<vmem>> -> memref<1x200x128xf32, #tpu.memory_space<vmem>>
    %dma_wait3A_59 = tpu.memref_squeeze %dma_wait3A_58 : memref<1x200x128xf32, #tpu.memory_space<vmem>> -> memref<200x128xf32, #tpu.memory_space<vmem>>
    %dma_wait3A_60 = arith.constant 0 : i32
    %dma_wait3A_61 = arith.constant 0 : i32
    %dma_wait3A_62 = tpu.memref_slice %arg5[%dma_wait3A_60, %dma_wait3A_61] : memref<819200x128xf32, #tpu.memory_space<hbm>> -> memref<200x128xf32, #tpu.memory_space<hbm>>
    %dma_wait3A_63 = arith.constant 0 : i32
    %dma_wait3A_64 = arith.constant 0 : i32
    %dma_wait3A_65 = tpu.memref_slice %arg5[%dma_wait3A_63, %dma_wait3A_64] : memref<819200x128xf32, #tpu.memory_space<hbm>> -> memref<200x128xf32, #tpu.memory_space<hbm>>
    %dma_wait3A_66 = arith.constant 0 : i32
    %dma_wait3A_67 = arith.constant 0 : i32
    %dma_wait3A_68 = tpu.memref_slice %arg7[%dma_wait3A_55, %dma_wait3A_66, %dma_wait3A_67] : memref<3x200x128xf32, #tpu.memory_space<vmem>> -> memref<1x200x128xf32, #tpu.memory_space<vmem>>
    %dma_wait3A_69 = tpu.memref_squeeze %dma_wait3A_68 : memref<1x200x128xf32, #tpu.memory_space<vmem>> -> memref<200x128xf32, #tpu.memory_space<vmem>>
    tpu.wait_dma2 semaphore(%arg14 : memref<!tpu.dma_semaphore, #tpu.memory_space<semaphore_mem>>) src(%dma_wait3A_69 : memref<200x128xf32, #tpu.memory_space<vmem>>) dst(%dma_wait3A_65 : memref<200x128xf32, #tpu.memory_space<hbm>>)
    return
  }
}

</mosaic_0001>

<sc_bundles>
// kernel: _run.3.cloned.1.call-start
scs
__scs_entry_jumppad:
0x0: {  	(pc) =	sbr.rel $0x88, $3  }
0x1: {  	(tag) =	ssettag $0x0;
	lr =	simm.s32 $0x1  }
0x2: {  	[smem:$0x3F9E] =	sst lr;
	_ =	strace $0xD0000000  }
0x3: {  	_ = 	snop  }
0x4: {  	_ = 	snop  }
0x5: {  	_ = 	snop  }
0x6: {  	_ = 	snop  }
0x7: {  	_ = 	snop  }
__scs_overlays_trampoline_lowered:
0x8: {  	[smem:$0x3FAD] =	sst s0  }
0x9: {  	[smem:$0x3FAE] =	sst s1  }
0xa: {  	[smem:$0x3FAF] =	sst s2  }
0xb: {  	[smem:$0x3FB0] =	sst s3  }
0xc: {  	[smem:$0x3FB1] =	sst s4  }
0xd: {  	[smem:$0x3FB2] =	sst s5  }
0xe: {  	[smem:$0x3FB3] =	sst s6  }
0xf: {  	[smem:$0x3FB4] =	sst s7  }
0x10: {  	[smem:$0x3FB5] =	sst s8  }
0x11: {  	[smem:$0x3FB6] =	sst s9;
	s0 =	simm.s32 @!p0 $0x0  }
0x12: {  	s1 =	sld [smem:$0x3F9C];
	s0 =	simm.s32 @p0 $0x1  }
0x13: {  	[smem:$0x3FB7] =	sst s0;
	s0 =	simm.s32 @!p1 $0x0  }
0x14: {  	s2 =	sld [smem:$0x3F9B];
	s0 =	simm.s32 @p1 $0x1  }
0x15: {  	[smem:$0x3FB8] =	sst s0;
	s0 =	simm.s32 @!p2 $0x0  }
0x16: {  	s3 =	sld [smem:$0x3FDB];
	s0 =	simm.s32 @p2 $0x1  }
0x17: {  	s4 =	simm.s32 $0x1BF5;
	[smem:$0x3FBA] =	sst s0  }
0x18: {  	s0 =	sld [smem:$0x3F9D];
	_ =	swait.ge [sflag:s4], $0x0  }
0x19: {  	s7 =	sld [smem:$0x3F9E]  }
0x1a: {  	s8 =	sadd.s32 $0xFFFFE003, lr  }
0x1b: {  	s9 =	sadd.s32 $0xFFFFFEF7, lr;
	s5 =	simm.s32 $0xFFFFFFFF;
	p2 =	slt.u32 s8, $0xFFFFF086  }
0x1c: {  	p1 =	slt.u32 s9, $0xF7A;
	s5 =	simm.s32 @!p2 $0x0  }
0x1d: {  	s5 =	simm.s32 @p1 $0x1;
	p0 =	seq.s32 s7, s2  }
0x1e: {  	s7 =	smul.u32 @!p0 $0xF7A, s2;
	p2 =	seq.s32 @!p0 s5, $0x0  }
0x1f: {  	s9 =	smul.u32 $0xF7A, s1;
	s8 =	simm.s32 @!p0 $0x1BF5;
	p2 =	por !p2, p0  }
0x20: {  	[sflag:s8] =	ssyncset.s32 @!p0 $0xFFFFF086;
	s6 =	sadd.s32 @!p0 s3, s7;
	s7 =	simm.s32 @!p0 $0x108  }
0x21: {  	s3 =	sadd.s32 s3, s9;
	s6 =	sadd.s32 @!p0 $0x88, s6;
	s7 =	simm.s32 @p2 $0x1082  }
0x22: {  	[simem:s7], [sflag:s8] =	dma.local @!p0 [hbm:s6], $0xF7A  }
0x23: {  	s9 =	sor.u32 $0xD0000000, s2;
	s6 =	simm.s32 $0x108;
	_ =	swait.ge @!p0 [sflag:s8], $0x0  }
0x24: {  	s3 =	sadd.s32 $0x88, s3;
	s6 =	simm.s32 @!p1 $0x1082;
	[sflag:s4] =	ssyncset.s32 $0xFFFFF086  }
0x25: {  	[simem:s6], [sflag:s4] =	dma.local [hbm:s3], $0xF7A  }
0x26: {  	[smem:$0x3F9E] =	sst s1;
	(tag) =	ssettag s2;
	_ =	strace s9  }
0x27: {  	s1 =	sld [smem:$0x3FAE]  }
0x28: {  	s2 =	sld [smem:$0x3FAF]  }
0x29: {  	s4 =	sld [smem:$0x3FB1]  }
0x2a: {  	p0 =	seq.s32 s5, $0x0;
	s5 =	sld [smem:$0x3FB2]  }
0x2b: {  	s6 =	sld [smem:$0x3FB3]  }
0x2c: {  	s7 =	sld [smem:$0x3FB4]  }
0x2d: {  	s3 =	simm.s32 $0x108;
	s8 =	sld [smem:$0x3FB5]  }
0x2e: {  	s3 =	simm.s32 @!p0 $0x1082;
	s9 =	sld [smem:$0x3FB6]  }
0x2f: {  	lr =	sadd.s32 s0, s3;
	s0 =	sld [smem:$0x3FAD]  }
0x30: {  	s3 =	sld [smem:$0x3FB0]  }
0x31: {  	[smem:$0x3FB9] =	sst s10  }
0x32: {  	s10 =	sld [smem:$0x3FB7];
	_ =	sdelay $0x3  }
0x33: {  	p0 =	seq.s32 s10, $0x1;
	s10 =	sld [smem:$0x3FB9];
	_ =	sdelay $0x3  }
0x34: {  	[smem:$0x3FB9] =	sst s10  }
0x35: {  	s10 =	sld [smem:$0x3FB8];
	_ =	sdelay $0x3  }
0x36: {  	p1 =	seq.s32 s10, $0x1;
	s10 =	sld [smem:$0x3FB9];
	_ =	sdelay $0x3  }
0x37: {  	[smem:$0x3FB9] =	sst s10  }
0x38: {  	s10 =	sld [smem:$0x3FBA]  }
0x39: {  	_ = 	snop;
	(pc) =	sbr.ind lr, $3  }
0x3a: {  	_ = 	snop  }
0x3b: {  	_ = 	snop  }
0x3c: {  	p2 =	seq.s32 s10, $0x1;
	s10 =	sld [smem:$0x3FB9]  }
0x3d: {  	_ =	shalt  }
0x3e: {  	_ =	shalt  }
0x3f: {  	_ =	shalt  }
0x40: {  	_ =	shalt  }
0x41: {  	_ =	shalt  }
0x42: {  	_ =	shalt  }
0x43: {  	_ =	shalt  }
0x44: {  	_ =	shalt  }
0x45: {  	_ =	shalt  }
0x46: {  	_ =	shalt  }
0x47: {  	_ =	shalt  }
0x48: {  	_ =	shalt  }
0x49: {  	_ =	shalt  }
0x4a: {  	_ =	shalt  }
0x4b: {  	_ =	shalt  }
0x4c: {  	_ =	shalt  }
0x4d: {  	_ =	shalt  }
0x4e: {  	_ =	shalt  }
0x4f: {  	_ =	shalt  }
0x50: {  	_ =	shalt  }
0x51: {  	_ =	shalt  }
0x52: {  	_ =	shalt  }
0x53: {  	_ =	shalt  }
0x54: {  	_ =	shalt  }
0x55: {  	_ =	shalt  }
0x56: {  	_ =	shalt  }
0x57: {  	_ =	shalt  }
0x58: {  	_ =	shalt  }
0x59: {  	_ =	shalt  }
0x5a: {  	_ =	shalt  }
0x5b: {  	_ =	shalt  }
0x5c: {  	_ =	shalt  }
0x5d: {  	_ =	shalt  }
0x5e: {  	_ =	shalt  }
0x5f: {  	_ =	shalt  }
0x60: {  	_ =	shalt  }
0x61: {  	_ =	shalt  }
0x62: {  	_ =	shalt  }
0x63: {  	_ =	shalt  }
0x64: {  	_ =	shalt  }
0x65: {  	_ =	shalt  }
0x66: {  	_ =	shalt  }
0x67: {  	_ =	shalt  }
0x68: {  	_ =	shalt  }
0x69: {  	_ =	shalt  }
0x6a: {  	_ =	shalt  }
0x6b: {  	_ =	shalt  }
0x6c: {  	_ =	shalt  }
0x6d: {  	_ =	shalt  }
0x6e: {  	_ =	shalt  }
0x6f: {  	_ =	shalt  }
0x70: {  	_ =	shalt  }
0x71: {  	_ =	shalt  }
0x72: {  	_ =	shalt  }
0x73: {  	_ =	shalt  }
0x74: {  	_ =	shalt  }
0x75: {  	_ =	shalt  }
0x76: {  	_ =	shalt  }
0x77: {  	_ =	shalt  }
0x78: {  	_ =	shalt  }
0x79: {  	_ =	shalt  }
0x7a: {  	_ =	shalt  }
0x7b: {  	_ =	shalt  }
0x7c: {  	_ =	shalt  }
0x7d: {  	_ =	shalt  }
0x7e: {  	_ =	shalt  }
0x7f: {  	_ =	shalt  }
0x80: {  	_ =	shalt  }
0x81: {  	_ =	shalt  }
0x82: {  	_ =	shalt  }
0x83: {  	_ =	shalt  }
0x84: {  	_ =	shalt  }
0x85: {  	_ =	shalt  }
0x86: {  	_ =	shalt  }
0x87: {  	_ =	shalt  }
.Lfunc_end0:
.L_simem_size_0:
called_computation_lowered:
.L_overlay_start_0:
0x88: {  	s2 =	sld [smem:$0x3FD9]  }
0x89: {  	s3 =	sld [smem:$0x3FFE];
	_ =	sdelay $0x1  }
0x8a: {  	s1 =	srdreg.scid  }
0x8b: {  	s0 =	sand.u32 $0x1, s1  }
0x8c: {  	s17 =	sshll.u32 s0, $0xA;
	s2 =	sadd.s32 s3, s2  }
0x8d: {  	s2 =	sadd.s32 s2, s17  }
0x8e: {  	[smem:$0x3FC5] =	sst s2  }
0x8f: {  	_ = 	snop  }
0x90: {  	s2 =	sld [smem:$0x3FC9]  }
0x91: {  	s18 =	sld [smem:$0x3FC8]  }
0x92: {  	s4 =	sld [smem:$0x3FD0];
	(tm) =	ssettm $0x1  }
0x93: {  	s5 =	sld [smem:$0x3FFB];
	_ =	sdelay $0x3  }
0x94: {  	_ =	strace s5  }
0x95: {  	s5 =	sld [smem:$0x3FFC];
	_ =	sdelay $0x3  }
0x96: {  	_ =	strace s5  }
0x97: {  	s5 =	sld [smem:$0x3FFD];
	_ =	sdelay $0x3  }
0x98: {  	_ =	strace s5  }
0x99: {  	_ =	strace $0x8FFFFFFF  }
0x9a: {  	s19 =	sld [smem:$0x3FDB];
	_ =	sdelay $0x1  }
0x9b: {  	s6 =	simm.s32 $_scs_section_size  }
0x9c: {  	s7 =	simm.s32 $_size__tile_overlayer_lowered;
	s8 =	simm.s32 $_tile_overlayer_lowered  }
0x9d: {  	s22 =	simm.s32 $0x1BFF;
	s21 =	sshll.u32 s8, $0x1;
	s5 =	sadd.s32 s6, s19  }
0x9e: {  	s9 =	simm.s32 $0x0;
	s20 =	sshll.u32 s7, $0x1;
	s7 =	sadd.s32 s21, s5  }
0x9f: {  	[timem:s9], [sflag:s22] =	dma.local [hbm:s7], s20  }
0xa0: {  	_ =	swait.ge [sflag:s22], s20  }
0xa1: {  	s6 =	ssub.s32 $0x0, s20;
	[sflag:s22] =	ssyncset.done $0x0  }
0xa2: {  	[sflag:s22] =	ssyncadd.s32 s6;
	_ =	sdelay $0x1  }
0xa3: {  	s23 =	simm.s32 $0x1B8B  }
0xa4: {  	_ =	swait.ge [sflag:s23], $0x1  }
0xa5: {  	[sflag:s23] =	ssyncset.done $0x0  }
0xa6: {  	s25 =	simm.s32 $0x1B8E;
	s24 =	sld [smem:$0x3FFE];
	[sflag:s23] =	ssyncadd.s32 $0xFFFFFFFF  }
0xa7: {  	s26 =	simm.s32 $execute0_lowered;
	[smem:$0x3FD2] =	sst s25  }
0xa8: {  	s7 =	sshll.u32 s26, $0x1;
	_ =	strace $0x80000046;
	[dreg:$0x1] =	wrdreg $0xFFFFFFFF  }
0xa9: {  	s28 =	simm.s32 $_size_execute0_lowered;
	s5 =	sadd.s32 s5, s7;
	[dreg:$0x0] =	wrdreg $0x0  }
0xaa: {  	s7 =	sshll.u32 s28, $0x1;
	[dreg:$0x2] =	wrdreg s5  }
0xab: {  	[dreg:$0x3] =	wrdreg s7  }
0xac: {  	[dreg:$0x4] =	wrdreg $0xC0  }
0xad: {  	_ =	task [dreg:s9], $0x5FFFF  }
0xae: {  	[dreg:$0x1] =	wrdreg $0xFFFFFFFF  }
0xaf: {  	[dreg:$0x0] =	wrdreg $0x60  }
0xb0: {  	[dreg:$0x2] =	wrdreg s2  }
0xb1: {  	[dreg:$0x3] =	wrdreg s18  }
0xb2: {  	[dreg:$0x4] =	wrdreg s24  }
0xb3: {  	[dreg:$0x5] =	wrdreg s4  }
0xb4: {  	[dreg:$0x6] =	wrdreg $0x9  }
0xb5: {  	_ =	task.clear_ibuf [dreg:s9], $0x7FFFF;
	_ =	strace $0x90000046  }
0xb6: {  	s29 =	simm.s32 $0x9;
	_ =	strace $0x80000048  }
0xb7: {  	_ =	swait.ge [sflag:s29], $0x1  }
0xb8: {  	[sflag:s29] =	ssyncadd.s32 $0xFFFFFFFF  }
0xb9: {  	_ =	strace $0x90000048  }
0xba: {  	_ =	sfence  }
0xbb: {  	s30 =	sld [smem:$0x0];
	_ =	sdelay $0x2  }
0xbc: {  	s31 =	sshll.u32 s1, $0xD;
	s1 =	sshrl.u32 s1, $0x2  }
0xbd: {  	s3 =	sand.u32 $0x4000, s31;
	s1 =	sadd.s32 s1, s30  }
0xbe: {  	s0 =	sor.u32 s3, s0;
	s1 =	sshll.u32 s1, $0x11  }
0xbf: {  	s0 =	sor.u32 s1, s0  }
0xc0: {  	s0 =	sadd.s32 $0x8F2B, s0  }
0xc1: {  	[sflag:s0] =	ssyncadd.remote.s32 $0x1  }
0xc2: {  	_ =	sfence.sel $0xFFFF  }
0xc3: {  	[dreg:$0x0] =	wrdreg $0xFFFFFFFF;
	(pc) =	sbr.abs _section_cstart, $3  }
0xc4: {  	[dreg:$0x1] =	wrdreg $0xFFFFFFFF  }
0xc5: {  	_ =	task.clear_ibuf [dreg:s9], $0x2FFFF;
	_ =	strace $0x9FFFFFFF  }
0xc6: {  	(tm) =	ssettm $0x7FFFFFFF  }
0xc7: {  	_ =	shalt  }
tec
execute0_lowered:
.L_overlay_start_1:
0x0: {  	(tag) =	ssettag $0x1  }
0x1: {  	s2 =	rddreg [dreg:$0x0]  }
0x2: {  	s1 =	rddreg [dreg:$0x1]  }
0x3: {  	s6 =	rddreg [dreg:$0x2];
	s4 =	srdreg.scid  }
0x4: {  	s0 =	stileid.u32;
	s3 =	rddreg [dreg:$0x3]  }
0x5: {  	s13 =	simm.s32 $0x19000;
	s14 =	simm.s32 $0xC8;
	s15 =	simm.s32 $0x6400  }
0x6: {  	s16 =	simm.s32 $0xC800;
	s17 =	simm.s32 $0x1;
	s18 =	simm.s32 $0x12C00  }
0x7: {  	s19 =	simm.s32 $0x2;
	s20 =	simm.s32 $0x4;
	s21 =	simm.s32 $0x5  }
0x8: {  	s22 =	simm.s32 $0x6;
	s7 =	sand.u32 $0x1, s4;
	s5 =	sshll.u32 s0, $0x1  }
0x9: {  	s23 =	simm.s32 $0x3;
	s24 =	simm.s32 $0x0;
	s8 =	sor.u32 s7, s5  }
0xa: {  	s4 =	simm.s32 $0x0;
	s6 =	sadd.s32 $0x400, s6;
	s5 =	smul.u32 $0x6400, s8  }
.Ltmp0:
0xb: {  	[smem:$0x7FF] =	sst s4;
	s7 =	ssub.s32 $0x2, s7;
	(pc) =	sbr.rel .LBB2_1-.Ltmp0, $4  }
0xc: {  	_ =	strace $0x80000047;
	s9 =	sshrl.u32 s7, $0x1;
	s11 =	smul.u32 $0x64000, s8  }
0xd: {  	s12 =	ssub.s32 s7, s9;
	s10 =	sshrl.u32 s5, $0x3;
	s8 =	sor.u32 $0xC8, s5  }
0xe: {  	s9 =	sor.u32 $0x190, s5;
	s31 =	sadd.s32 s11, s3;
	s11 =	smax.u32 s12, $0x1  }
0xf: {  	s12 =	simm.s32 $0x7;
	s7 =	sadd.s32 s2, s10;
	s10 =	sadd.s32 $0x63380, s31  }
.LBB2_14:
0x10: {  	[hbm4b:s10+s4] =	stream.linear.scatter [tilespmem:s16], [sflag:$0x5], $0x6400, $0x38;
	[tilespmem:$0x1C200] =	vst v63  }
0x11: {  	_ =	swait.ge [sflag:s20], $0x6400  }
0x12: {  	[sflag:s20] =	ssyncset.done $0x0  }
0x13: {  	s24 =	sadd.s32 $0x1, s24;
	[sflag:s20] =	ssyncadd.s32 $0xFFFF9C00  }
0x14: {  	p0 =	sne.s32 s24, s11;
	_ =	swait.ge [sflag:s21], $0x6400  }
.Ltmp1:
0x15: {  	[sflag:s21] =	ssyncset.done $0x0;
	(pc) =	sbr.rel @!p0 .LBB2_15-.Ltmp1, $4  }
0x16: {  	[sflag:s21] =	ssyncadd.s32 $0xFFFF9C00  }
0x17: {  	_ =	swait.ge [sflag:s22], $0x6400  }
0x18: {  	[sflag:s22] =	ssyncset.done $0x0  }
0x19: {  	[sflag:s22] =	ssyncadd.s32 $0xFFFF9C00  }
.LBB2_1:
0x1a: {  	[tilespmem:s4], [sflag:$0x7] =	stream.linear.gather [hbm4b:s7+s4], $0x6400, $0x38;
	[tilespmem:$0x1C200] =	vst v63  }
0x1b: {  	_ =	swait.ge [sflag:s12], $0x6400  }
0x1c: {  	[sflag:s12] =	ssyncset.done $0x0  }
0x1d: {  	[sflag:s12] =	ssyncadd.s32 $0xFFFF9C00  }
0x1e: {  	[tilespmem:s13], [sflag:$0x7] =	stream.linear.gather [hbm4b:s6+s4], $0x3200, $0x38;
	[tilespmem:$0x1C200] =	vst v63  }
0x1f: {  	_ =	swait.ge [sflag:s12], $0x3200  }
0x20: {  	[sflag:s12] =	ssyncset.done $0x0  }
0x21: {  	[sflag:s12] =	ssyncadd.s32 $0xFFFFCE00  }
0x22: {  	[tilespmem:s15], [sflag:$0x1] =	stream.indirect.gather [hbm4b:s1+s14], $0x80, s4, s14, $0xb8;
	[tilespmem:$0x1C200] =	vst v63  }
0x23: {  	s25 =	simm.s32 $0x0  }
0x24: {  	[tilespmem:s16], [sflag:$0x2] =	stream.indirect.gather [hbm4b:s1+s14], $0x80, s14, s14, $0xb8;
	[tilespmem:$0x1C200] =	vst v63  }
.LBB2_2:
0x25: {  	_ =	swait.ge [sflag:s17], $0x6400  }
0x26: {  	[sflag:s17] =	ssyncset.done $0x0  }
0x27: {  	s26 =	simm.s32 $0x6480;
	[sflag:s17] =	ssyncadd.s32 $0xFFFF9C00  }
0x28: {  	s28 =	simm.s32 $0x19040;
	v0 =	vld [tilespmem:s26+$0xFFFFFF80]  }
0x29: {  	v1 =	vld [tilespmem:s28+$0xFFFFFFC0];
	_ =	sdelay $0x4  }
0x2a: {  	v0 =	vadd.f32 v1, v0;
	_ =	sdelay $0x1  }
0x2b: {  	[tilespmem:s26+$0xFFFFFF80] =	vst v0;
	v0 =	vld [tilespmem:s26+$0xFFFFFF90]  }
0x2c: {  	v1 =	vld [tilespmem:s28+$0xFFFFFFD0];
	_ =	sdelay $0x4  }
0x2d: {  	v0 =	vadd.f32 v1, v0;
	_ =	sdelay $0x1  }
0x2e: {  	[tilespmem:s26+$0xFFFFFF90] =	vst v0;
	v0 =	vld [tilespmem:s26+$0xFFFFFFA0]  }
0x2f: {  	v1 =	vld [tilespmem:s28+$0xFFFFFFE0];
	_ =	sdelay $0x4  }
0x30: {  	v0 =	vadd.f32 v1, v0;
	_ =	sdelay $0x1  }
0x31: {  	[tilespmem:s26+$0xFFFFFFA0] =	vst v0;
	v0 =	vld [tilespmem:s26+$0xFFFFFFB0]  }
0x32: {  	v1 =	vld [tilespmem:s28+$0xFFFFFFF0];
	_ =	sdelay $0x4  }
0x33: {  	v0 =	vadd.f32 v1, v0;
	_ =	sdelay $0x1  }
0x34: {  	[tilespmem:s26+$0xFFFFFFB0] =	vst v0;
	v0 =	vld [tilespmem:s26+$0x0]  }
0x35: {  	v1 =	vld [tilespmem:s28+$0x0];
	_ =	sdelay $0x4  }
0x36: {  	v0 =	vadd.f32 v1, v0;
	_ =	sdelay $0x1  }
0x37: {  	[tilespmem:s26+$0x0] =	vst v0;
	v0 =	vld [tilespmem:s26+$0x10]  }
0x38: {  	v1 =	vld [tilespmem:s28+$0x10];
	_ =	sdelay $0x4  }
0x39: {  	v0 =	vadd.f32 v1, v0;
	_ =	sdelay $0x1  }
0x3a: {  	[tilespmem:s26+$0x10] =	vst v0;
	v0 =	vld [tilespmem:s26+$0x20]  }
0x3b: {  	v1 =	vld [tilespmem:s28+$0x20];
	_ =	sdelay $0x4  }
0x3c: {  	v0 =	vadd.f32 v1, v0;
	_ =	sdelay $0x1  }
0x3d: {  	[tilespmem:s26+$0x20] =	vst v0;
	v0 =	vld [tilespmem:s26+$0x30]  }
0x3e: {  	v1 =	vld [tilespmem:s28+$0x30];
	_ =	sdelay $0x4  }
0x3f: {  	v0 =	vadd.f32 v1, v0  }
0x40: {  	s29 =	simm.s32 $0x0;
	s30 =	simm.s32 $0x6580  }
.LBB2_3:
0x41: {  	v1 =	vld [tilespmem:s30+$0xFFFFFF80];
	[tilespmem:s26+$0x30] =	vst v0;
	s28 =	sadd.s32 $0x80, s28;
	s26 =	smov.u32 s30  }
0x42: {  	s29 =	sadd.s32 $0x2, s29;
	v0 =	vld [tilespmem:s28+$0xFFFFFFC0]  }
0x43: {  	p0 =	slt.u32 s29, $0xC6;
	_ =	sdelay $0x3  }
0x44: {  	v0 =	vadd.f32 v0, v1;
	_ =	sdelay $0x1  }
0x45: {  	[tilespmem:s30+$0xFFFFFF80] =	vst v0;
	v0 =	vld [tilespmem:s30+$0xFFFFFF90]  }
0x46: {  	v1 =	vld [tilespmem:s28+$0xFFFFFFD0];
	_ =	sdelay $0x4  }
0x47: {  	v0 =	vadd.f32 v1, v0;
	_ =	sdelay $0x1  }
0x48: {  	[tilespmem:s30+$0xFFFFFF90] =	vst v0;
	v0 =	vld [tilespmem:s30+$0xFFFFFFA0]  }
0x49: {  	v1 =	vld [tilespmem:s28+$0xFFFFFFE0];
	_ =	sdelay $0x4  }
0x4a: {  	v0 =	vadd.f32 v1, v0;
	_ =	sdelay $0x1  }
0x4b: {  	[tilespmem:s30+$0xFFFFFFA0] =	vst v0;
	v0 =	vld [tilespmem:s30+$0xFFFFFFB0]  }
0x4c: {  	v1 =	vld [tilespmem:s28+$0xFFFFFFF0];
	_ =	sdelay $0x4  }
0x4d: {  	v0 =	vadd.f32 v1, v0;
	_ =	sdelay $0x1  }
0x4e: {  	[tilespmem:s30+$0xFFFFFFB0] =	vst v0;
	v0 =	vld [tilespmem:s30+$0x0]  }
0x4f: {  	v1 =	vld [tilespmem:s28+$0x0];
	_ =	sdelay $0x4  }
0x50: {  	v0 =	vadd.f32 v1, v0;
	_ =	sdelay $0x1  }
0x51: {  	[tilespmem:s30+$0x0] =	vst v0;
	v0 =	vld [tilespmem:s30+$0x10]  }
0x52: {  	v1 =	vld [tilespmem:s28+$0x10];
	_ =	sdelay $0x4  }
0x53: {  	v0 =	vadd.f32 v1, v0;
	_ =	sdelay $0x1  }
0x54: {  	[tilespmem:s30+$0x10] =	vst v0;
	v0 =	vld [tilespmem:s30+$0x20]  }
0x55: {  	v1 =	vld [tilespmem:s28+$0x20];
	_ =	sdelay $0x4  }
0x56: {  	v0 =	vadd.f32 v1, v0;
	_ =	sdelay $0x1  }
0x57: {  	[tilespmem:s30+$0x20] =	vst v0;
	v0 =	vld [tilespmem:s30+$0x30]  }
0x58: {  	v1 =	vld [tilespmem:s28+$0x30];
	_ =	sdelay $0x1  }
.Ltmp2:
0x59: {  	(pc) =	sbr.rel @p0 .LBB2_3-.Ltmp2, $3  }
0x5a: {  	_ =	sdelay $0x1  }
0x5b: {  	v0 =	vadd.f32 v1, v0  }
0x5c: {  	s30 =	sadd.s32 $0x100, s30  }
0x5d: {  	p0 =	seq.s32 s25, $0x0  }
.Ltmp3:
0x5e: {  	_ = 	snop;
	(pc) =	sbr.rel @p0 .LBB2_7-.Ltmp3, $2  }
0x5f: {  	_ =	sdelay $0x2  }
0x60: {  	[tilespmem:s26+$0x30] =	vst v0  }
0x61: {  	p0 =	seq.s32 s25, $0x2A  }
.Ltmp4:
0x62: {  	_ = 	snop;
	(pc) =	sbr.rel @p0 .LBB2_8-.Ltmp4, $1  }
0x63: {  	_ =	sdelay $0x3  }
0x64: {  	_ =	swait.ge [sflag:s22], $0x6400  }
0x65: {  	[sflag:s22] =	ssyncset.done $0x0  }
0x66: {  	[sflag:s22] =	ssyncadd.s32 $0xFFFF9C00  }
.LBB2_7:
0x67: {  	s2 =	smul.u32 $0x960, s25;
	_ =	sdelay $0x1  }
0x68: {  	s2 =	sshra.s32 s2, $0x2  }
0x69: {  	s2 =	sadd.s32 $0x190, s2  }
0x6a: {  	[tilespmem:s18], [sflag:$0x3] =	stream.indirect.gather [hbm4b:s1+s14], $0x80, s2, s14, $0xb8;
	[tilespmem:$0x1C200] =	vst v63  }
.LBB2_8:
0x6b: {  	s26 =	smul.u32 $0x258, s25;
	_ =	sdelay $0x1  }
0x6c: {  	s2 =	sadd.s32 s5, s26  }
0x6d: {  	s2 =	sshll.u32 s2, $0x4  }
0x6e: {  	s2 =	sadd.s32 s3, s2  }
0x6f: {  	[hbm4b:s2+s4] =	stream.linear.scatter [tilespmem:s15], [sflag:$0x4], $0x6400, $0x38;
	[tilespmem:$0x1C200] =	vst v63  }
0x70: {  	_ =	swait.ge [sflag:s19], $0x6400  }
0x71: {  	[sflag:s19] =	ssyncset.done $0x0  }
0x72: {  	s28 =	simm.s32 $0xC8B0;
	[sflag:s19] =	ssyncadd.s32 $0xFFFF9C00  }
0x73: {  	s29 =	simm.s32 $0x19040;
	v0 =	vld [tilespmem:s28+$0xFFFFFF50]  }
0x74: {  	v1 =	vld [tilespmem:s29+$0xFFFFFFC0];
	_ =	sdelay $0x4  }
0x75: {  	v0 =	vadd.f32 v1, v0;
	_ =	sdelay $0x1  }
0x76: {  	[tilespmem:s28+$0xFFFFFF50] =	vst v0;
	v0 =	vld [tilespmem:s28+$0xFFFFFF60]  }
0x77: {  	v1 =	vld [tilespmem:s29+$0xFFFFFFD0];
	_ =	sdelay $0x4  }
0x78: {  	v0 =	vadd.f32 v1, v0;
	_ =	sdelay $0x1  }
0x79: {  	[tilespmem:s28+$0xFFFFFF60] =	vst v0;
	v0 =	vld [tilespmem:s28+$0xFFFFFF70]  }
0x7a: {  	v1 =	vld [tilespmem:s29+$0xFFFFFFE0];
	_ =	sdelay $0x4  }
0x7b: {  	v0 =	vadd.f32 v1, v0;
	_ =	sdelay $0x1  }
0x7c: {  	[tilespmem:s28+$0xFFFFFF70] =	vst v0;
	v0 =	vld [tilespmem:s28+$0xFFFFFF80]  }
0x7d: {  	v1 =	vld [tilespmem:s29+$0xFFFFFFF0];
	_ =	sdelay $0x4  }
0x7e: {  	v0 =	vadd.f32 v1, v0;
	_ =	sdelay $0x1  }
0x7f: {  	[tilespmem:s28+$0xFFFFFF80] =	vst v0;
	v0 =	vld [tilespmem:s28+$0xFFFFFFD0]  }
0x80: {  	v1 =	vld [tilespmem:s29+$0x0];
	_ =	sdelay $0x4  }
0x81: {  	v0 =	vadd.f32 v1, v0;
	_ =	sdelay $0x1  }
0x82: {  	[tilespmem:s28+$0xFFFFFFD0] =	vst v0;
	v0 =	vld [tilespmem:s28+$0xFFFFFFE0]  }
0x83: {  	v1 =	vld [tilespmem:s29+$0x10];
	_ =	sdelay $0x4  }
0x84: {  	v0 =	vadd.f32 v1, v0;
	_ =	sdelay $0x1  }
0x85: {  	[tilespmem:s28+$0xFFFFFFE0] =	vst v0;
	v0 =	vld [tilespmem:s28+$0xFFFFFFF0]  }
0x86: {  	v1 =	vld [tilespmem:s29+$0x20];
	_ =	sdelay $0x4  }
0x87: {  	v0 =	vadd.f32 v1, v0;
	_ =	sdelay $0x1  }
0x88: {  	[tilespmem:s28+$0xFFFFFFF0] =	vst v0;
	v0 =	vld [tilespmem:s28+$0x0]  }
0x89: {  	v1 =	vld [tilespmem:s29+$0x30];
	_ =	sdelay $0x4  }
0x8a: {  	v0 =	vadd.f32 v1, v0  }
0x8b: {  	s30 =	simm.s32 $0x0;
	s31 =	simm.s32 $0xC9B0  }
.LBB2_9:
0x8c: {  	v1 =	vld [tilespmem:s31+$0xFFFFFF50];
	[tilespmem:s28+$0x0] =	vst v0;
	s29 =	sadd.s32 $0x80, s29;
	s28 =	smov.u32 s31  }
0x8d: {  	s30 =	sadd.s32 $0x2, s30;
	v0 =	vld [tilespmem:s29+$0xFFFFFFC0]  }
0x8e: {  	p0 =	slt.u32 s30, $0xC6;
	_ =	sdelay $0x3  }
0x8f: {  	v0 =	vadd.f32 v0, v1;
	_ =	sdelay $0x1  }
0x90: {  	[tilespmem:s31+$0xFFFFFF50] =	vst v0;
	v0 =	vld [tilespmem:s31+$0xFFFFFF60]  }
0x91: {  	v1 =	vld [tilespmem:s29+$0xFFFFFFD0];
	_ =	sdelay $0x4  }
0x92: {  	v0 =	vadd.f32 v1, v0;
	_ =	sdelay $0x1  }
0x93: {  	[tilespmem:s31+$0xFFFFFF60] =	vst v0;
	v0 =	vld [tilespmem:s31+$0xFFFFFF70]  }
0x94: {  	v1 =	vld [tilespmem:s29+$0xFFFFFFE0];
	_ =	sdelay $0x4  }
0x95: {  	v0 =	vadd.f32 v1, v0;
	_ =	sdelay $0x1  }
0x96: {  	[tilespmem:s31+$0xFFFFFF70] =	vst v0;
	v0 =	vld [tilespmem:s31+$0xFFFFFF80]  }
0x97: {  	v1 =	vld [tilespmem:s29+$0xFFFFFFF0];
	_ =	sdelay $0x4  }
0x98: {  	v0 =	vadd.f32 v1, v0;
	_ =	sdelay $0x1  }
0x99: {  	[tilespmem:s31+$0xFFFFFF80] =	vst v0;
	v0 =	vld [tilespmem:s31+$0xFFFFFFD0]  }
0x9a: {  	v1 =	vld [tilespmem:s29+$0x0];
	_ =	sdelay $0x4  }
0x9b: {  	v0 =	vadd.f32 v1, v0;
	_ =	sdelay $0x1  }
0x9c: {  	[tilespmem:s31+$0xFFFFFFD0] =	vst v0;
	v0 =	vld [tilespmem:s31+$0xFFFFFFE0]  }
0x9d: {  	v1 =	vld [tilespmem:s29+$0x10];
	_ =	sdelay $0x4  }
0x9e: {  	v0 =	vadd.f32 v1, v0;
	_ =	sdelay $0x1  }
0x9f: {  	[tilespmem:s31+$0xFFFFFFE0] =	vst v0;
	v0 =	vld [tilespmem:s31+$0xFFFFFFF0]  }
0xa0: {  	v1 =	vld [tilespmem:s29+$0x20];
	_ =	sdelay $0x4  }
0xa1: {  	v0 =	vadd.f32 v1, v0;
	_ =	sdelay $0x1  }
0xa2: {  	[tilespmem:s31+$0xFFFFFFF0] =	vst v0;
	v0 =	vld [tilespmem:s31+$0x0]  }
0xa3: {  	v1 =	vld [tilespmem:s29+$0x30];
	_ =	sdelay $0x1  }
.Ltmp5:
0xa4: {  	(pc) =	sbr.rel @p0 .LBB2_9-.Ltmp5, $3  }
0xa5: {  	_ =	sdelay $0x1  }
0xa6: {  	v0 =	vadd.f32 v1, v0  }
0xa7: {  	s31 =	sadd.s32 $0x100, s31  }
0xa8: {  	p0 =	seq.s32 s25, $0x2A  }
.Ltmp6:
0xa9: {  	_ = 	snop;
	(pc) =	sbr.rel @p0 .LBB2_14-.Ltmp6, $2  }
0xaa: {  	_ =	sdelay $0x2  }
0xab: {  	[tilespmem:s28+$0x0] =	vst v0  }
0xac: {  	s2 =	smul.u32 $0x960, s25  }
0xad: {  	_ =	swait.ge [sflag:s20], $0x6400  }
0xae: {  	[sflag:s20] =	ssyncset.done $0x0;
	s28 =	sshra.s32 s2, $0x2  }
0xaf: {  	[sflag:s20] =	ssyncadd.s32 $0xFFFF9C00;
	s2 =	sadd.s32 $0x258, s28  }
0xb0: {  	[tilespmem:s15], [sflag:$0x1] =	stream.indirect.gather [hbm4b:s1+s14], $0x80, s2, s14, $0xb8;
	[tilespmem:$0x1C200] =	vst v63  }
0xb1: {  	s2 =	sadd.s32 s26, s8  }
0xb2: {  	s2 =	sshll.u32 s2, $0x4  }
0xb3: {  	s2 =	sand.u32 $0x1FFFFF80, s2  }
0xb4: {  	s2 =	sadd.s32 s3, s2  }
0xb5: {  	[hbm4b:s2+s4] =	stream.linear.scatter [tilespmem:s16], [sflag:$0x5], $0x6400, $0x38;
	[tilespmem:$0x1C200] =	vst v63  }
0xb6: {  	_ =	swait.ge [sflag:s23], $0x6400  }
0xb7: {  	[sflag:s23] =	ssyncset.done $0x0  }
0xb8: {  	s29 =	simm.s32 $0x12CB0;
	[sflag:s23] =	ssyncadd.s32 $0xFFFF9C00  }
0xb9: {  	s30 =	simm.s32 $0x19040;
	v0 =	vld [tilespmem:s29+$0xFFFFFF50]  }
0xba: {  	v1 =	vld [tilespmem:s30+$0xFFFFFFC0];
	_ =	sdelay $0x4  }
0xbb: {  	v0 =	vadd.f32 v1, v0;
	_ =	sdelay $0x1  }
0xbc: {  	[tilespmem:s29+$0xFFFFFF50] =	vst v0;
	v0 =	vld [tilespmem:s29+$0xFFFFFF60]  }
0xbd: {  	v1 =	vld [tilespmem:s30+$0xFFFFFFD0];
	_ =	sdelay $0x4  }
0xbe: {  	v0 =	vadd.f32 v1, v0;
	_ =	sdelay $0x1  }
0xbf: {  	[tilespmem:s29+$0xFFFFFF60] =	vst v0;
	v0 =	vld [tilespmem:s29+$0xFFFFFF70]  }
0xc0: {  	v1 =	vld [tilespmem:s30+$0xFFFFFFE0];
	_ =	sdelay $0x4  }
0xc1: {  	v0 =	vadd.f32 v1, v0;
	_ =	sdelay $0x1  }
0xc2: {  	[tilespmem:s29+$0xFFFFFF70] =	vst v0;
	v0 =	vld [tilespmem:s29+$0xFFFFFF80]  }
0xc3: {  	v1 =	vld [tilespmem:s30+$0xFFFFFFF0];
	_ =	sdelay $0x4  }
0xc4: {  	v0 =	vadd.f32 v1, v0;
	_ =	sdelay $0x1  }
0xc5: {  	[tilespmem:s29+$0xFFFFFF80] =	vst v0;
	v0 =	vld [tilespmem:s29+$0xFFFFFFD0]  }
0xc6: {  	v1 =	vld [tilespmem:s30+$0x0];
	_ =	sdelay $0x4  }
0xc7: {  	v0 =	vadd.f32 v1, v0;
	_ =	sdelay $0x1  }
0xc8: {  	[tilespmem:s29+$0xFFFFFFD0] =	vst v0;
	v0 =	vld [tilespmem:s29+$0xFFFFFFE0]  }
0xc9: {  	v1 =	vld [tilespmem:s30+$0x10];
	_ =	sdelay $0x4  }
0xca: {  	v0 =	vadd.f32 v1, v0;
	_ =	sdelay $0x1  }
0xcb: {  	[tilespmem:s29+$0xFFFFFFE0] =	vst v0;
	v0 =	vld [tilespmem:s29+$0xFFFFFFF0]  }
0xcc: {  	v1 =	vld [tilespmem:s30+$0x20];
	_ =	sdelay $0x4  }
0xcd: {  	v0 =	vadd.f32 v1, v0;
	_ =	sdelay $0x1  }
0xce: {  	[tilespmem:s29+$0xFFFFFFF0] =	vst v0;
	v0 =	vld [tilespmem:s29+$0x0]  }
0xcf: {  	v1 =	vld [tilespmem:s30+$0x30];
	_ =	sdelay $0x4  }
0xd0: {  	v0 =	vadd.f32 v1, v0  }
0xd1: {  	s31 =	simm.s32 $0x0;
	s2 =	simm.s32 $0x12DB0  }
.LBB2_12:
0xd2: {  	v1 =	vld [tilespmem:s2+$0xFFFFFF50];
	[tilespmem:s29+$0x0] =	vst v0;
	s30 =	sadd.s32 $0x80, s30;
	s29 =	smov.u32 s2  }
0xd3: {  	s31 =	sadd.s32 $0x2, s31;
	v0 =	vld [tilespmem:s30+$0xFFFFFFC0]  }
0xd4: {  	p0 =	slt.u32 s31, $0xC6;
	_ =	sdelay $0x3  }
0xd5: {  	v0 =	vadd.f32 v0, v1;
	_ =	sdelay $0x1  }
0xd6: {  	[tilespmem:s2+$0xFFFFFF50] =	vst v0;
	v0 =	vld [tilespmem:s2+$0xFFFFFF60]  }
0xd7: {  	v1 =	vld [tilespmem:s30+$0xFFFFFFD0];
	_ =	sdelay $0x4  }
0xd8: {  	v0 =	vadd.f32 v1, v0;
	_ =	sdelay $0x1  }
0xd9: {  	[tilespmem:s2+$0xFFFFFF60] =	vst v0;
	v0 =	vld [tilespmem:s2+$0xFFFFFF70]  }
0xda: {  	v1 =	vld [tilespmem:s30+$0xFFFFFFE0];
	_ =	sdelay $0x4  }
0xdb: {  	v0 =	vadd.f32 v1, v0;
	_ =	sdelay $0x1  }
0xdc: {  	[tilespmem:s2+$0xFFFFFF70] =	vst v0;
	v0 =	vld [tilespmem:s2+$0xFFFFFF80]  }
0xdd: {  	v1 =	vld [tilespmem:s30+$0xFFFFFFF0];
	_ =	sdelay $0x4  }
0xde: {  	v0 =	vadd.f32 v1, v0;
	_ =	sdelay $0x1  }
0xdf: {  	[tilespmem:s2+$0xFFFFFF80] =	vst v0;
	v0 =	vld [tilespmem:s2+$0xFFFFFFD0]  }
0xe0: {  	v1 =	vld [tilespmem:s30+$0x0];
	_ =	sdelay $0x4  }
0xe1: {  	v0 =	vadd.f32 v1, v0;
	_ =	sdelay $0x1  }
0xe2: {  	[tilespmem:s2+$0xFFFFFFD0] =	vst v0;
	v0 =	vld [tilespmem:s2+$0xFFFFFFE0]  }
0xe3: {  	v1 =	vld [tilespmem:s30+$0x10];
	_ =	sdelay $0x4  }
0xe4: {  	v0 =	vadd.f32 v1, v0;
	_ =	sdelay $0x1  }
0xe5: {  	[tilespmem:s2+$0xFFFFFFE0] =	vst v0;
	v0 =	vld [tilespmem:s2+$0xFFFFFFF0]  }
0xe6: {  	v1 =	vld [tilespmem:s30+$0x20];
	_ =	sdelay $0x4  }
0xe7: {  	v0 =	vadd.f32 v1, v0;
	_ =	sdelay $0x1  }
0xe8: {  	[tilespmem:s2+$0xFFFFFFF0] =	vst v0;
	v0 =	vld [tilespmem:s2+$0x0]  }
0xe9: {  	v1 =	vld [tilespmem:s30+$0x30];
	_ =	sdelay $0x1  }
.Ltmp7:
0xea: {  	(pc) =	sbr.rel @p0 .LBB2_12-.Ltmp7, $3  }
0xeb: {  	_ =	sdelay $0x1  }
0xec: {  	v0 =	vadd.f32 v1, v0  }
0xed: {  	s2 =	sadd.s32 $0x100, s2  }
0xee: {  	[tilespmem:s29+$0x0] =	vst v0  }
0xef: {  	_ =	swait.ge [sflag:s21], $0x6400  }
0xf0: {  	[sflag:s21] =	ssyncset.done $0x0  }
0xf1: {  	s2 =	sadd.s32 $0x320, s28;
	[sflag:s21] =	ssyncadd.s32 $0xFFFF9C00  }
0xf2: {  	[tilespmem:s16], [sflag:$0x2] =	stream.indirect.gather [hbm4b:s1+s14], $0x80, s2, s14, $0xb8;
	[tilespmem:$0x1C200] =	vst v63  }
.Ltmp8:
0xf3: {  	s31 =	sadd.s32 s26, s9;
	(pc) =	sbr.rel .LBB2_2-.Ltmp8, $4  }
0xf4: {  	s2 =	sshll.u32 s31, $0x4  }
0xf5: {  	s2 =	sand.u32 $0x1FFFFF80, s2  }
0xf6: {  	s25 =	sadd.s32 $0x1, s25;
	s2 =	sadd.s32 s3, s2  }
0xf7: {  	[hbm4b:s2+s4] =	stream.linear.scatter [tilespmem:s18], [sflag:$0x6], $0x6400, $0x38;
	[tilespmem:$0x1C200] =	vst v63  }
.LBB2_15:
0xf8: {  	_ =	sfence.sel $0x180000  }
0xf9: {  	[bflag:$0x0] =	sbarrier.arrive $0xFFFF  }
0xfa: {  	_ =	strace $0x90000047  }
0xfb: {  	[bflag:$0x2] =	sbarrier.arrive $0xFFFF  }
0xfc: {  	p0 =	sne.s32 s0, $0x0;
	s0 =	rddreg [dreg:$0x4]  }
0xfd: {  	s0 =	sadd.s32 @!p0 $0x100000, s0  }
0xfe: {  	[sflag:s0] =	ssyncadd.tile.s32 @!p0 $0x1;
	_ =	shalt  }
.Lfunc_end2:
_tile_overlayer_lowered:
.L_overlay_start_2:
0xff: {  	(tag) =	ssettag $0x2  }
0x100: {  	s0 =	rddreg [dreg:$0x0];
	s2 =	stileid.u32  }
0x101: {  	s1 =	rddreg [dreg:$0x1];
	p0 =	sne.s32 s2, $0x0  }
0x102: {  	s3 =	rddreg [dreg:$0x2];
	[bflag:$0x3] =	sbarrier.arrive $0xFFFF;
	s2 =	simm.s32 @!p0 $0x1C07  }
0x103: {  	[timem:s3], [sflag:s2] =	dma.local @!p0 [hbm:s0], s1  }
0x104: {  	s0 =	simm.s32 @!p0 $0x7  }
0x105: {  	_ =	swait.ge @!p0 [sflag:s0], s1  }
0x106: {  	s1 =	ssub.s32 @!p0 $0x0, s1;
	[sflag:s0] =	ssyncset.done @!p0 $0x0  }
0x107: {  	[sflag:s0] =	ssyncadd.s32 @!p0 s1  }
0x108: {  	[bflag:$0x3] =	sbarrier.arrive $0xFFFF  }
0x109: {  	_ =	shalt  }

</sc_bundles>
